<compile_context>
chip_gen: v7x
topology: tpu7x:2x2x1
jax: 0.10.2.dev20260603
libtpu: 0.0.44.dev20260713+nightly
codegen_flags: <defaults>
</compile_context>

<pallas_src>
import functools

import jax
import jax.numpy as jnp
from jax import lax
from jax.experimental import pallas as pl
from jax.experimental.pallas import tpu as pltpu
from jax.experimental.pallas import tpu_sc as plsc

_NW = 32
_S = 1600
_NS = 2
_C = _S * _NS
_BR = 8192


def _gather_body(ids_hbm, tbl_hbm, out_hbm, idx_v, buf_v, sem,
                 *, rows_per_w, n_chunks):
    wid = lax.axis_index("s") * 2 + lax.axis_index("c")
    r_base = wid * rows_per_w

    def chunk_body(ci, _):
        r0 = r_base + ci * _NS
        pltpu.sync_copy(ids_hbm.at[pl.ds(r0, _NS)], idx_v)
        cps = []
        for r in range(_NS):
            cps.append(pltpu.async_copy(
                tbl_hbm.at[idx_v.at[r]], buf_v.at[pl.ds(r * _S, _S)], sem))
        for cp in cps:
            cp.wait()
        pltpu.sync_copy(buf_v, out_hbm.at[pl.ds(r0 * _S, _C)])
        return 0

    lax.fori_loop(0, n_chunks, chunk_body, 0)


def _dequant_body(q_ref, s_ref, o_ref):
    o_ref[...] = q_ref[...].astype(jnp.float32) * s_ref[...]


def kernel(input_ids, q_weight, scale):
    B, L = input_ids.shape
    V, D = q_weight.shape
    N = B * L
    n_rows = N // _S
    rows_per_w = n_rows // _NW
    n_chunks = rows_per_w // _NS
    assert n_rows * _S == N and rows_per_w * _NW == n_rows
    assert n_chunks * _NS == rows_per_w and N % _BR == 0

    ids2 = input_ids.reshape(n_rows, _S).astype(jnp.int32)
    W = D // 4
    qw32 = lax.bitcast_convert_type(q_weight.reshape(V, W, 4), jnp.int32)

    mesh = plsc.VectorSubcoreMesh(core_axis_name="c", subcore_axis_name="s")

    def make_gather(tbl_w, tbl_dtype):
        return pl.kernel(
            functools.partial(_gather_body, rows_per_w=rows_per_w,
                              n_chunks=n_chunks),
            out_type=jax.ShapeDtypeStruct((N, tbl_w), tbl_dtype),
            mesh=mesh,
            scratch_types=[
                pltpu.VMEM((_NS, _S), jnp.int32),
                pltpu.VMEM((_C, tbl_w), tbl_dtype),
                pltpu.SemaphoreType.DMA,
            ],
            compiler_params=pltpu.CompilerParams(
                needs_layout_passes=False, use_tc_tiling_on_sc=False),
        )

    rows32 = make_gather(W, jnp.int32)(ids2, qw32)
    scls = make_gather(1, jnp.float32)(ids2, scale)
    rows = lax.bitcast_convert_type(rows32, jnp.int8).reshape(N, D)

    dequant = pl.pallas_call(
        _dequant_body,
        grid=(N // _BR,),
        in_specs=[
            pl.BlockSpec((_BR, D), lambda i: (i, 0)),
            pl.BlockSpec((_BR, 1), lambda i: (i, 0)),
        ],
        out_specs=pl.BlockSpec((_BR, D), lambda i: (i, 0)),
        out_shape=jax.ShapeDtypeStruct((N, D), jnp.float32),
    )
    return dequant(rows, scls).reshape(B, L, D)

# --- scband reference (transcript-rebuilt; emitter-appended) ---
"""Pipeline reference for scband-quantized-embedding-16836271801129 (READ-ONLY COPY).

The authoritative reference and input builder live on the scoring server;
editing this copy changes nothing except your own understanding.
"""

import jax, jax.numpy as jnp
import numpy as np


def setup_inputs(seed: int = 0) -> dict:
    key = jax.random.key(seed)
    k_w, k_idx = jax.random.split(key)
    num_embeddings = 1000000
    embedding_dim = 64
    batch, hist_len = 16384, 50
    # Original float embedding weight (as in nn.Embedding passed to __init__)
    weight = jax.random.normal(k_w, (num_embeddings, embedding_dim), dtype=jnp.float32)
    # Per-row symmetric int8 quantization, exactly as in QuantizedEmbedding.__init__
    abs_max = jnp.abs(weight).max(axis=1, keepdims=True) + 1e-08
    scale = abs_max / 127.0
    q_weight = jnp.clip(jnp.round(weight / scale), -128, 127).astype(jnp.int8)
    input_ids = jax.random.randint(k_idx, (batch, hist_len), 0, num_embeddings, dtype=jnp.int64)
    return {"input_ids": input_ids, "q_weight": q_weight, "scale": scale}


def reference(input_ids, q_weight, scale):
    # forward: gather int8 rows + per-row scales, dequantize
    quant_rows = jnp.take(q_weight, input_ids, axis=0)      # [B, L, D] int8
    scales = jnp.take(scale, input_ids, axis=0)             # [B, L, 1] float32
    return quant_rows.astype(jnp.float32) * scales          # [B, L, D] float32

if __name__ == "__main__":
    import jax
    _d = setup_inputs()
    print(jax.jit(kernel)(*tuple(_d.values())))

</pallas_src>

<mosaic_0001>
#map = affine_map<(d0, d1) -> (0, 0)>
module attributes {stable_mosaic.version = 14 : i64} {
  func.func @_gather_body(%arg0: i32, %arg1: i32, %arg2: memref<512x1600xi32, #tpu.memory_space<hbm>>, %arg3: memref<1000000x16xi32, #tpu.memory_space<hbm>>, %arg4: memref<819200x16xi32, #tpu.memory_space<hbm>>, %arg5: memref<2x1600xi32, #tpu.memory_space<vmem>>, %arg6: memref<3200x16xi32, #tpu.memory_space<vmem>>, %arg7: memref<!tpu.dma_semaphore, #tpu.memory_space<semaphore_mem>>) attributes {dimension_semantics = [#tpu.dimension_semantics<core_parallel>, #tpu.dimension_semantics<subcore_parallel>], iteration_bounds = array<i64: 2, 16>, scalar_prefetch = 0 : i64, scratch_operands = 3 : i64, tpu.core_type = #tpu.core_type<sc_vector_subcore>, window_params = [{transform_indices = #map}, {transform_indices = #map}, {transform_indices = #map}]} {
    %mul3A = arith.constant 2 : i32
    %mul3A_0 = arith.muli %arg1, %mul3A : i32
    %add3A = arith.addi %mul3A_0, %arg0 : i32
    %mul3A_1 = arith.constant 16 : i32
    %mul3A_2 = arith.muli %add3A, %mul3A_1 : i32
    %scan3A = arith.constant 0 : i32
    %scan3A_3 = arith.constant 0 : i32
    %scan3A_4 = arith.constant 8 : i32
    %scan3A_5 = arith.addi %scan3A_3, %scan3A_4 : i32
    %scan3A_6 = arith.constant 1 : i32
    %scan3A_7 = scf.for %scan3A_9 = %scan3A_3 to %scan3A_5 step %scan3A_6 iter_args(%scan3A_10 = %scan3A) -> (i32)  : i32 {
      %mul3A_11 = arith.constant 2 : i32
      %mul3A_12 = arith.muli %scan3A_9, %mul3A_11 : i32
      %add3A_13 = arith.addi %mul3A_2, %mul3A_12 : i32
      "tpu.region"() ({
        %run_scoped3A = tpu.sem_alloc : memref<!tpu.dma_semaphore, #tpu.memory_space<semaphore_mem>>
        %dma_start3A_55 = arith.constant 0 : i32
        %dma_start3A_56 = tpu.memref_slice %arg2[%add3A_13, %dma_start3A_55] : memref<512x1600xi32, #tpu.memory_space<hbm>> -> memref<2x1600xi32, #tpu.memory_space<hbm>>
        %dma_start3A_57 = arith.constant 0 : i32
        %dma_start3A_58 = tpu.memref_slice %arg2[%add3A_13, %dma_start3A_57] : memref<512x1600xi32, #tpu.memory_space<hbm>> -> memref<2x1600xi32, #tpu.memory_space<hbm>>
        tpu.enqueue_dma source(%dma_start3A_58 : memref<2x1600xi32, #tpu.memory_space<hbm>>) target(%arg5 : memref<2x1600xi32, #tpu.memory_space<vmem>>) target_semaphore(%run_scoped3A : memref<!tpu.dma_semaphore, #tpu.memory_space<semaphore_mem>>)
        %dma_wait3A_59 = arith.constant 0 : i32
        %dma_wait3A_60 = tpu.memref_slice %arg2[%add3A_13, %dma_wait3A_59] : memref<512x1600xi32, #tpu.memory_space<hbm>> -> memref<2x1600xi32, #tpu.memory_space<hbm>>
        %dma_wait3A_61 = arith.constant 0 : i32
        %dma_wait3A_62 = tpu.memref_slice %arg2[%add3A_13, %dma_wait3A_61] : memref<512x1600xi32, #tpu.memory_space<hbm>> -> memref<2x1600xi32, #tpu.memory_space<hbm>>
        tpu.wait_dma2 semaphore(%run_scoped3A : memref<!tpu.dma_semaphore, #tpu.memory_space<semaphore_mem>>) src(%dma_wait3A_62 : memref<2x1600xi32, #tpu.memory_space<hbm>>) dst(%arg5 : memref<2x1600xi32, #tpu.memory_space<vmem>>)
        tpu.yield
      }) : () -> ()
      %dma_start3A = arith.constant 0 : i32
      %dma_start3A_14 = arith.constant 0 : i32
      %dma_start3A_15 = arith.constant 0 : i32
      %dma_start3A_16 = tpu.memref_slice %arg6[%dma_start3A_14, %dma_start3A_15] : memref<3200x16xi32, #tpu.memory_space<vmem>> -> memref<1600x16xi32, #tpu.memory_space<vmem>>
      %dma_start3A_17 = arith.constant 0 : i32
      %dma_start3A_18 = tpu.memref_slice %arg5[%dma_start3A, %dma_start3A_17] : memref<2x1600xi32, #tpu.memory_space<vmem>> -> memref<1x1600xi32, #tpu.memory_space<vmem>>
      %dma_start3A_19 = tpu.memref_squeeze %dma_start3A_18 : memref<1x1600xi32, #tpu.memory_space<vmem>> -> memref<1600xi32, #tpu.memory_space<vmem>>
      %dma_start3A_20 = arith.constant 0 : i32
      %dma_start3A_21 = arith.constant 0 : i32
      %dma_start3A_22 = tpu.memref_slice %arg3[%dma_start3A_20, %dma_start3A_21] : memref<1000000x16xi32, #tpu.memory_space<hbm>> -> memref<1000000x16xi32, #tpu.memory_space<hbm>>
      tpu.enqueue_indirect_dma source(%dma_start3A_22 : memref<1000000x16xi32, #tpu.memory_space<hbm>>) target(%dma_start3A_16 : memref<1600x16xi32, #tpu.memory_space<vmem>>) offsets(%dma_start3A_19 : memref<1600xi32, #tpu.memory_space<vmem>>) semaphore(%arg7 : memref<!tpu.dma_semaphore, #tpu.memory_space<semaphore_mem>>)
      %dma_start3A_23 = arith.constant 1 : i32
      %dma_start3A_24 = arith.constant 1600 : i32
      %dma_start3A_25 = arith.constant 0 : i32
      %dma_start3A_26 = tpu.memref_slice %arg6[%dma_start3A_24, %dma_start3A_25] : memref<3200x16xi32, #tpu.memory_space<vmem>> -> memref<1600x16xi32, #tpu.memory_space<vmem>>
      %dma_start3A_27 = arith.constant 0 : i32
      %dma_start3A_28 = tpu.memref_slice %arg5[%dma_start3A_23, %dma_start3A_27] : memref<2x1600xi32, #tpu.memory_space<vmem>> -> memref<1x1600xi32, #tpu.memory_space<vmem>>
      %dma_start3A_29 = tpu.memref_squeeze %dma_start3A_28 : memref<1x1600xi32, #tpu.memory_space<vmem>> -> memref<1600xi32, #tpu.memory_space<vmem>>
      %dma_start3A_30 = arith.constant 0 : i32
      %dma_start3A_31 = arith.constant 0 : i32
      %dma_start3A_32 = tpu.memref_slice %arg3[%dma_start3A_30, %dma_start3A_31] : memref<1000000x16xi32, #tpu.memory_space<hbm>> -> memref<1000000x16xi32, #tpu.memory_space<hbm>>
      tpu.enqueue_indirect_dma source(%dma_start3A_32 : memref<1000000x16xi32, #tpu.memory_space<hbm>>) target(%dma_start3A_26 : memref<1600x16xi32, #tpu.memory_space<vmem>>) offsets(%dma_start3A_29 : memref<1600xi32, #tpu.memory_space<vmem>>) semaphore(%arg7 : memref<!tpu.dma_semaphore, #tpu.memory_space<semaphore_mem>>)
      %dma_wait3A = arith.constant 0 : i32
      %dma_wait3A_33 = arith.constant 0 : i32
      %dma_wait3A_34 = arith.constant 0 : i32
      %dma_wait3A_35 = tpu.memref_slice %arg6[%dma_wait3A_33, %dma_wait3A_34] : memref<3200x16xi32, #tpu.memory_space<vmem>> -> memref<1600x16xi32, #tpu.memory_space<vmem>>
      %dma_wait3A_36 = arith.constant 0 : i32
      %dma_wait3A_37 = tpu.memref_slice %arg5[%dma_wait3A, %dma_wait3A_36] : memref<2x1600xi32, #tpu.memory_space<vmem>> -> memref<1x1600xi32, #tpu.memory_space<vmem>>
      %dma_wait3A_38 = tpu.memref_squeeze %dma_wait3A_37 : memref<1x1600xi32, #tpu.memory_space<vmem>> -> memref<1600xi32, #tpu.memory_space<vmem>>
      %dma_wait3A_39 = arith.constant 0 : i32
      %dma_wait3A_40 = arith.constant 0 : i32
      %dma_wait3A_41 = tpu.memref_slice %arg3[%dma_wait3A_39, %dma_wait3A_40] : memref<1000000x16xi32, #tpu.memory_space<hbm>> -> memref<1000000x16xi32, #tpu.memory_space<hbm>>
      tpu.wait_indirect_dma semaphore(%arg7 : memref<!tpu.dma_semaphore, #tpu.memory_space<semaphore_mem>>) src(%dma_wait3A_41 : memref<1000000x16xi32, #tpu.memory_space<hbm>>) dst(%dma_wait3A_35 : memref<1600x16xi32, #tpu.memory_space<vmem>>)
      %dma_wait3A_42 = arith.constant 1 : i32
      %dma_wait3A_43 = arith.constant 1600 : i32
      %dma_wait3A_44 = arith.constant 0 : i32
      %dma_wait3A_45 = tpu.memref_slice %arg6[%dma_wait3A_43, %dma_wait3A_44] : memref<3200x16xi32, #tpu.memory_space<vmem>> -> memref<1600x16xi32, #tpu.memory_space<vmem>>
      %dma_wait3A_46 = arith.constant 0 : i32
      %dma_wait3A_47 = tpu.memref_slice %arg5[%dma_wait3A_42, %dma_wait3A_46] : memref<2x1600xi32, #tpu.memory_space<vmem>> -> memref<1x1600xi32, #tpu.memory_space<vmem>>
      %dma_wait3A_48 = tpu.memref_squeeze %dma_wait3A_47 : memref<1x1600xi32, #tpu.memory_space<vmem>> -> memref<1600xi32, #tpu.memory_space<vmem>>
      %dma_wait3A_49 = arith.constant 0 : i32
      %dma_wait3A_50 = arith.constant 0 : i32
      %dma_wait3A_51 = tpu.memref_slice %arg3[%dma_wait3A_49, %dma_wait3A_50] : memref<1000000x16xi32, #tpu.memory_space<hbm>> -> memref<1000000x16xi32, #tpu.memory_space<hbm>>
      tpu.wait_indirect_dma semaphore(%arg7 : memref<!tpu.dma_semaphore, #tpu.memory_space<semaphore_mem>>) src(%dma_wait3A_51 : memref<1000000x16xi32, #tpu.memory_space<hbm>>) dst(%dma_wait3A_45 : memref<1600x16xi32, #tpu.memory_space<vmem>>)
      %mul3A_52 = arith.constant 1600 : i32
      %mul3A_53 = arith.muli %add3A_13, %mul3A_52 : i32
      "tpu.region"() ({
        %run_scoped3A = tpu.sem_alloc : memref<!tpu.dma_semaphore, #tpu.memory_space<semaphore_mem>>
        %dma_start3A_55 = arith.constant 0 : i32
        %dma_start3A_56 = tpu.memref_slice %arg4[%mul3A_53, %dma_start3A_55] : memref<819200x16xi32, #tpu.memory_space<hbm>> -> memref<3200x16xi32, #tpu.memory_space<hbm>>
        %dma_start3A_57 = arith.constant 0 : i32
        %dma_start3A_58 = tpu.memref_slice %arg4[%mul3A_53, %dma_start3A_57] : memref<819200x16xi32, #tpu.memory_space<hbm>> -> memref<3200x16xi32, #tpu.memory_space<hbm>>
        tpu.enqueue_dma source(%arg6 : memref<3200x16xi32, #tpu.memory_space<vmem>>) target(%dma_start3A_58 : memref<3200x16xi32, #tpu.memory_space<hbm>>) target_semaphore(%run_scoped3A : memref<!tpu.dma_semaphore, #tpu.memory_space<semaphore_mem>>)
        %dma_wait3A_59 = arith.constant 0 : i32
        %dma_wait3A_60 = tpu.memref_slice %arg4[%mul3A_53, %dma_wait3A_59] : memref<819200x16xi32, #tpu.memory_space<hbm>> -> memref<3200x16xi32, #tpu.memory_space<hbm>>
        %dma_wait3A_61 = arith.constant 0 : i32
        %dma_wait3A_62 = tpu.memref_slice %arg4[%mul3A_53, %dma_wait3A_61] : memref<819200x16xi32, #tpu.memory_space<hbm>> -> memref<3200x16xi32, #tpu.memory_space<hbm>>
        tpu.wait_dma2 semaphore(%run_scoped3A : memref<!tpu.dma_semaphore, #tpu.memory_space<semaphore_mem>>) src(%arg6 : memref<3200x16xi32, #tpu.memory_space<vmem>>) dst(%dma_wait3A_62 : memref<3200x16xi32, #tpu.memory_space<hbm>>)
        tpu.yield
      }) : () -> ()
      %scan3A_54 = arith.constant 0 : i32
      scf.yield %scan3A_54 : i32
    }
    %scan3A_8 = arith.constant 8 : i32
    return
  }
}

#map = affine_map<(d0, d1) -> (0, 0)>
module attributes {stable_mosaic.version = 14 : i64} {
  func.func @_gather_body(%arg0: i32, %arg1: i32, %arg2: memref<512x1600xi32, #tpu.memory_space<hbm>>, %arg3: memref<1000000x1xf32, #tpu.memory_space<hbm>>, %arg4: memref<819200x1xf32, #tpu.memory_space<hbm>>, %arg5: memref<2x1600xi32, #tpu.memory_space<vmem>>, %arg6: memref<3200x1xf32, #tpu.memory_space<vmem>>, %arg7: memref<!tpu.dma_semaphore, #tpu.memory_space<semaphore_mem>>) attributes {dimension_semantics = [#tpu.dimension_semantics<core_parallel>, #tpu.dimension_semantics<subcore_parallel>], iteration_bounds = array<i64: 2, 16>, scalar_prefetch = 0 : i64, scratch_operands = 3 : i64, tpu.core_type = #tpu.core_type<sc_vector_subcore>, window_params = [{transform_indices = #map}, {transform_indices = #map}, {transform_indices = #map}]} {
    %mul3A = arith.constant 2 : i32
    %mul3A_0 = arith.muli %arg1, %mul3A : i32
    %add3A = arith.addi %mul3A_0, %arg0 : i32
    %mul3A_1 = arith.constant 16 : i32
    %mul3A_2 = arith.muli %add3A, %mul3A_1 : i32
    %scan3A = arith.constant 0 : i32
    %scan3A_3 = arith.constant 0 : i32
    %scan3A_4 = arith.constant 8 : i32
    %scan3A_5 = arith.addi %scan3A_3, %scan3A_4 : i32
    %scan3A_6 = arith.constant 1 : i32
    %scan3A_7 = scf.for %scan3A_9 = %scan3A_3 to %scan3A_5 step %scan3A_6 iter_args(%scan3A_10 = %scan3A) -> (i32)  : i32 {
      %mul3A_11 = arith.constant 2 : i32
      %mul3A_12 = arith.muli %scan3A_9, %mul3A_11 : i32
      %add3A_13 = arith.addi %mul3A_2, %mul3A_12 : i32
      "tpu.region"() ({
        %run_scoped3A = tpu.sem_alloc : memref<!tpu.dma_semaphore, #tpu.memory_space<semaphore_mem>>
        %dma_start3A_55 = arith.constant 0 : i32
        %dma_start3A_56 = tpu.memref_slice %arg2[%add3A_13, %dma_start3A_55] : memref<512x1600xi32, #tpu.memory_space<hbm>> -> memref<2x1600xi32, #tpu.memory_space<hbm>>
        %dma_start3A_57 = arith.constant 0 : i32
        %dma_start3A_58 = tpu.memref_slice %arg2[%add3A_13, %dma_start3A_57] : memref<512x1600xi32, #tpu.memory_space<hbm>> -> memref<2x1600xi32, #tpu.memory_space<hbm>>
        tpu.enqueue_dma source(%dma_start3A_58 : memref<2x1600xi32, #tpu.memory_space<hbm>>) target(%arg5 : memref<2x1600xi32, #tpu.memory_space<vmem>>) target_semaphore(%run_scoped3A : memref<!tpu.dma_semaphore, #tpu.memory_space<semaphore_mem>>)
        %dma_wait3A_59 = arith.constant 0 : i32
        %dma_wait3A_60 = tpu.memref_slice %arg2[%add3A_13, %dma_wait3A_59] : memref<512x1600xi32, #tpu.memory_space<hbm>> -> memref<2x1600xi32, #tpu.memory_space<hbm>>
        %dma_wait3A_61 = arith.constant 0 : i32
        %dma_wait3A_62 = tpu.memref_slice %arg2[%add3A_13, %dma_wait3A_61] : memref<512x1600xi32, #tpu.memory_space<hbm>> -> memref<2x1600xi32, #tpu.memory_space<hbm>>
        tpu.wait_dma2 semaphore(%run_scoped3A : memref<!tpu.dma_semaphore, #tpu.memory_space<semaphore_mem>>) src(%dma_wait3A_62 : memref<2x1600xi32, #tpu.memory_space<hbm>>) dst(%arg5 : memref<2x1600xi32, #tpu.memory_space<vmem>>)
        tpu.yield
      }) : () -> ()
      %dma_start3A = arith.constant 0 : i32
      %dma_start3A_14 = arith.constant 0 : i32
      %dma_start3A_15 = arith.constant 0 : i32
      %dma_start3A_16 = tpu.memref_slice %arg6[%dma_start3A_14, %dma_start3A_15] : memref<3200x1xf32, #tpu.memory_space<vmem>> -> memref<1600x1xf32, #tpu.memory_space<vmem>>
      %dma_start3A_17 = arith.constant 0 : i32
      %dma_start3A_18 = tpu.memref_slice %arg5[%dma_start3A, %dma_start3A_17] : memref<2x1600xi32, #tpu.memory_space<vmem>> -> memref<1x1600xi32, #tpu.memory_space<vmem>>
      %dma_start3A_19 = tpu.memref_squeeze %dma_start3A_18 : memref<1x1600xi32, #tpu.memory_space<vmem>> -> memref<1600xi32, #tpu.memory_space<vmem>>
      %dma_start3A_20 = arith.constant 0 : i32
      %dma_start3A_21 = arith.constant 0 : i32
      %dma_start3A_22 = tpu.memref_slice %arg3[%dma_start3A_20, %dma_start3A_21] : memref<1000000x1xf32, #tpu.memory_space<hbm>> -> memref<1000000x1xf32, #tpu.memory_space<hbm>>
      tpu.enqueue_indirect_dma source(%dma_start3A_22 : memref<1000000x1xf32, #tpu.memory_space<hbm>>) target(%dma_start3A_16 : memref<1600x1xf32, #tpu.memory_space<vmem>>) offsets(%dma_start3A_19 : memref<1600xi32, #tpu.memory_space<vmem>>) semaphore(%arg7 : memref<!tpu.dma_semaphore, #tpu.memory_space<semaphore_mem>>)
      %dma_start3A_23 = arith.constant 1 : i32
      %dma_start3A_24 = arith.constant 1600 : i32
      %dma_start3A_25 = arith.constant 0 : i32
      %dma_start3A_26 = tpu.memref_slice %arg6[%dma_start3A_24, %dma_start3A_25] : memref<3200x1xf32, #tpu.memory_space<vmem>> -> memref<1600x1xf32, #tpu.memory_space<vmem>>
      %dma_start3A_27 = arith.constant 0 : i32
      %dma_start3A_28 = tpu.memref_slice %arg5[%dma_start3A_23, %dma_start3A_27] : memref<2x1600xi32, #tpu.memory_space<vmem>> -> memref<1x1600xi32, #tpu.memory_space<vmem>>
      %dma_start3A_29 = tpu.memref_squeeze %dma_start3A_28 : memref<1x1600xi32, #tpu.memory_space<vmem>> -> memref<1600xi32, #tpu.memory_space<vmem>>
      %dma_start3A_30 = arith.constant 0 : i32
      %dma_start3A_31 = arith.constant 0 : i32
      %dma_start3A_32 = tpu.memref_slice %arg3[%dma_start3A_30, %dma_start3A_31] : memref<1000000x1xf32, #tpu.memory_space<hbm>> -> memref<1000000x1xf32, #tpu.memory_space<hbm>>
      tpu.enqueue_indirect_dma source(%dma_start3A_32 : memref<1000000x1xf32, #tpu.memory_space<hbm>>) target(%dma_start3A_26 : memref<1600x1xf32, #tpu.memory_space<vmem>>) offsets(%dma_start3A_29 : memref<1600xi32, #tpu.memory_space<vmem>>) semaphore(%arg7 : memref<!tpu.dma_semaphore, #tpu.memory_space<semaphore_mem>>)
      %dma_wait3A = arith.constant 0 : i32
      %dma_wait3A_33 = arith.constant 0 : i32
      %dma_wait3A_34 = arith.constant 0 : i32
      %dma_wait3A_35 = tpu.memref_slice %arg6[%dma_wait3A_33, %dma_wait3A_34] : memref<3200x1xf32, #tpu.memory_space<vmem>> -> memref<1600x1xf32, #tpu.memory_space<vmem>>
      %dma_wait3A_36 = arith.constant 0 : i32
      %dma_wait3A_37 = tpu.memref_slice %arg5[%dma_wait3A, %dma_wait3A_36] : memref<2x1600xi32, #tpu.memory_space<vmem>> -> memref<1x1600xi32, #tpu.memory_space<vmem>>
      %dma_wait3A_38 = tpu.memref_squeeze %dma_wait3A_37 : memref<1x1600xi32, #tpu.memory_space<vmem>> -> memref<1600xi32, #tpu.memory_space<vmem>>
      %dma_wait3A_39 = arith.constant 0 : i32
      %dma_wait3A_40 = arith.constant 0 : i32
      %dma_wait3A_41 = tpu.memref_slice %arg3[%dma_wait3A_39, %dma_wait3A_40] : memref<1000000x1xf32, #tpu.memory_space<hbm>> -> memref<1000000x1xf32, #tpu.memory_space<hbm>>
      tpu.wait_indirect_dma semaphore(%arg7 : memref<!tpu.dma_semaphore, #tpu.memory_space<semaphore_mem>>) src(%dma_wait3A_41 : memref<1000000x1xf32, #tpu.memory_space<hbm>>) dst(%dma_wait3A_35 : memref<1600x1xf32, #tpu.memory_space<vmem>>)
      %dma_wait3A_42 = arith.constant 1 : i32
      %dma_wait3A_43 = arith.constant 1600 : i32
      %dma_wait3A_44 = arith.constant 0 : i32
      %dma_wait3A_45 = tpu.memref_slice %arg6[%dma_wait3A_43, %dma_wait3A_44] : memref<3200x1xf32, #tpu.memory_space<vmem>> -> memref<1600x1xf32, #tpu.memory_space<vmem>>
      %dma_wait3A_46 = arith.constant 0 : i32
      %dma_wait3A_47 = tpu.memref_slice %arg5[%dma_wait3A_42, %dma_wait3A_46] : memref<2x1600xi32, #tpu.memory_space<vmem>> -> memref<1x1600xi32, #tpu.memory_space<vmem>>
      %dma_wait3A_48 = tpu.memref_squeeze %dma_wait3A_47 : memref<1x1600xi32, #tpu.memory_space<vmem>> -> memref<1600xi32, #tpu.memory_space<vmem>>
      %dma_wait3A_49 = arith.constant 0 : i32
      %dma_wait3A_50 = arith.constant 0 : i32
      %dma_wait3A_51 = tpu.memref_slice %arg3[%dma_wait3A_49, %dma_wait3A_50] : memref<1000000x1xf32, #tpu.memory_space<hbm>> -> memref<1000000x1xf32, #tpu.memory_space<hbm>>
      tpu.wait_indirect_dma semaphore(%arg7 : memref<!tpu.dma_semaphore, #tpu.memory_space<semaphore_mem>>) src(%dma_wait3A_51 : memref<1000000x1xf32, #tpu.memory_space<hbm>>) dst(%dma_wait3A_45 : memref<1600x1xf32, #tpu.memory_space<vmem>>)
      %mul3A_52 = arith.constant 1600 : i32
      %mul3A_53 = arith.muli %add3A_13, %mul3A_52 : i32
      "tpu.region"() ({
        %run_scoped3A = tpu.sem_alloc : memref<!tpu.dma_semaphore, #tpu.memory_space<semaphore_mem>>
        %dma_start3A_55 = arith.constant 0 : i32
        %dma_start3A_56 = tpu.memref_slice %arg4[%mul3A_53, %dma_start3A_55] : memref<819200x1xf32, #tpu.memory_space<hbm>> -> memref<3200x1xf32, #tpu.memory_space<hbm>>
        %dma_start3A_57 = arith.constant 0 : i32
        %dma_start3A_58 = tpu.memref_slice %arg4[%mul3A_53, %dma_start3A_57] : memref<819200x1xf32, #tpu.memory_space<hbm>> -> memref<3200x1xf32, #tpu.memory_space<hbm>>
        tpu.enqueue_dma source(%arg6 : memref<3200x1xf32, #tpu.memory_space<vmem>>) target(%dma_start3A_58 : memref<3200x1xf32, #tpu.memory_space<hbm>>) target_semaphore(%run_scoped3A : memref<!tpu.dma_semaphore, #tpu.memory_space<semaphore_mem>>)
        %dma_wait3A_59 = arith.constant 0 : i32
        %dma_wait3A_60 = tpu.memref_slice %arg4[%mul3A_53, %dma_wait3A_59] : memref<819200x1xf32, #tpu.memory_space<hbm>> -> memref<3200x1xf32, #tpu.memory_space<hbm>>
        %dma_wait3A_61 = arith.constant 0 : i32
        %dma_wait3A_62 = tpu.memref_slice %arg4[%mul3A_53, %dma_wait3A_61] : memref<819200x1xf32, #tpu.memory_space<hbm>> -> memref<3200x1xf32, #tpu.memory_space<hbm>>
        tpu.wait_dma2 semaphore(%run_scoped3A : memref<!tpu.dma_semaphore, #tpu.memory_space<semaphore_mem>>) src(%arg6 : memref<3200x1xf32, #tpu.memory_space<vmem>>) dst(%dma_wait3A_62 : memref<3200x1xf32, #tpu.memory_space<hbm>>)
        tpu.yield
      }) : () -> ()
      %scan3A_54 = arith.constant 0 : i32
      scf.yield %scan3A_54 : i32
    }
    %scan3A_8 = arith.constant 8 : i32
    return
  }
}

module attributes {stable_mosaic.version = 14 : i64} {
  func.func @_dequant_body(%arg0: i32, %arg1: memref<8192x64xi8, #tpu.memory_space<vmem>>, %arg2: memref<8192x1xf32, #tpu.memory_space<vmem>>, %arg3: memref<8192x64xf32, #tpu.memory_space<vmem>>) attributes {dimension_semantics = [#tpu.dimension_semantics<arbitrary>], iteration_bounds = array<i64: 100>, scalar_prefetch = 0 : i64, scratch_operands = 0 : i64, tpu.core_type = #tpu.core_type<tc>, window_params = [{transform_indices = @transform_0, window_bounds = array<i64: 8192, 64>}, {transform_indices = @transform_1, window_bounds = array<i64: 8192, 1>}, {transform_indices = @transform_2, window_bounds = array<i64: 8192, 64>}]} {
    %get3A = arith.constant 0 : index
    %get3A_0 = arith.constant 0 : index
    %get3A_1 = vector.load %arg1[%get3A, %get3A_0] : memref<8192x64xi8, #tpu.memory_space<vmem>>, vector<8192x64xi8>
    %convert_element_type3A = arith.sitofp %get3A_1 : vector<8192x64xi8> to vector<8192x64xf32>
    %get3A_2 = arith.constant 0 : index
    %get3A_3 = arith.constant 0 : index
    %get3A_4 = vector.load %arg2[%get3A_2, %get3A_3] : memref<8192x1xf32, #tpu.memory_space<vmem>>, vector<8192x1xf32>
    %mul3A = vector.broadcast %get3A_4 : vector<8192x1xf32> to vector<8192x64xf32>
    %mul3A_5 = arith.mulf %convert_element_type3A, %mul3A : vector<8192x64xf32>
    %swap3A = arith.constant 0 : index
    %swap3A_6 = arith.constant 0 : index
    %swap3A_7 = vector.load %arg3[%swap3A, %swap3A_6] : memref<8192x64xf32, #tpu.memory_space<vmem>>, vector<8192x64xf32>
    tpu.vector_store %arg3[%swap3A, %swap3A_6], %mul3A_5 {strides = array<i32>} : memref<8192x64xf32, #tpu.memory_space<vmem>>, vector<8192x64xf32>,
    return
  }
  func.func @transform_0(%arg0: i32) -> (i32, i32) {
    %c0_i32 = arith.constant 0 : i32
    %c0_i32_0 = arith.constant 0 : i32
    return %arg0, %c0_i32 : i32, i32
  }
  func.func @transform_1(%arg0: i32) -> (i32, i32) {
    %c0_i32 = arith.constant 0 : i32
    %c0_i32_0 = arith.constant 0 : i32
    return %arg0, %c0_i32 : i32, i32
  }
  func.func @transform_2(%arg0: i32) -> (i32, i32) {
    %c0_i32 = arith.constant 0 : i32
    %c0_i32_0 = arith.constant 0 : i32
    return %arg0, %c0_i32 : i32, i32
  }
}

</mosaic_0001>

<sc_bundles>
// kernel: kernel.5.cloned.1.call-start
scs
__scs_entry_jumppad:
0x0: {  	(pc) =	sbr.rel $0x88, $3  }
0x1: {  	(tag) =	ssettag $0x0;
	lr =	simm.s32 $0x1  }
0x2: {  	[smem:$0x3F9E] =	sst lr;
	_ =	strace $0xD0000000  }
0x3: {  	_ = 	snop  }
0x4: {  	_ = 	snop  }
0x5: {  	_ = 	snop  }
0x6: {  	_ = 	snop  }
0x7: {  	_ = 	snop  }
__scs_overlays_trampoline_lowered:
0x8: {  	[smem:$0x3FAD] =	sst s0  }
0x9: {  	[smem:$0x3FAE] =	sst s1  }
0xa: {  	[smem:$0x3FAF] =	sst s2  }
0xb: {  	[smem:$0x3FB0] =	sst s3  }
0xc: {  	[smem:$0x3FB1] =	sst s4  }
0xd: {  	[smem:$0x3FB2] =	sst s5  }
0xe: {  	[smem:$0x3FB3] =	sst s6  }
0xf: {  	[smem:$0x3FB4] =	sst s7  }
0x10: {  	[smem:$0x3FB5] =	sst s8  }
0x11: {  	[smem:$0x3FB6] =	sst s9;
	s0 =	simm.s32 @!p0 $0x0  }
0x12: {  	s1 =	sld [smem:$0x3F9C];
	s0 =	simm.s32 @p0 $0x1  }
0x13: {  	[smem:$0x3FB7] =	sst s0;
	s0 =	simm.s32 @!p1 $0x0  }
0x14: {  	s2 =	sld [smem:$0x3F9B];
	s0 =	simm.s32 @p1 $0x1  }
0x15: {  	[smem:$0x3FB8] =	sst s0;
	s0 =	simm.s32 @!p2 $0x0  }
0x16: {  	s3 =	sld [smem:$0x3FDB];
	s0 =	simm.s32 @p2 $0x1  }
0x17: {  	s4 =	simm.s32 $0x1BF5;
	[smem:$0x3FBA] =	sst s0  }
0x18: {  	s0 =	sld [smem:$0x3F9D];
	_ =	swait.ge [sflag:s4], $0x0  }
0x19: {  	s7 =	sld [smem:$0x3F9E]  }
0x1a: {  	s8 =	sadd.s32 $0xFFFFE003, lr  }
0x1b: {  	s9 =	sadd.s32 $0xFFFFFEF7, lr;
	s5 =	simm.s32 $0xFFFFFFFF;
	p2 =	slt.u32 s8, $0xFFFFF086  }
0x1c: {  	p1 =	slt.u32 s9, $0xF7A;
	s5 =	simm.s32 @!p2 $0x0  }
0x1d: {  	s5 =	simm.s32 @p1 $0x1;
	p0 =	seq.s32 s7, s2  }
0x1e: {  	s7 =	smul.u32 @!p0 $0xF7A, s2;
	p2 =	seq.s32 @!p0 s5, $0x0  }
0x1f: {  	s9 =	smul.u32 $0xF7A, s1;
	s8 =	simm.s32 @!p0 $0x1BF5;
	p2 =	por !p2, p0  }
0x20: {  	[sflag:s8] =	ssyncset.s32 @!p0 $0xFFFFF086;
	s6 =	sadd.s32 @!p0 s3, s7;
	s7 =	simm.s32 @!p0 $0x108  }
0x21: {  	s3 =	sadd.s32 s3, s9;
	s6 =	sadd.s32 @!p0 $0x88, s6;
	s7 =	simm.s32 @p2 $0x1082  }
0x22: {  	[simem:s7], [sflag:s8] =	dma.local @!p0 [hbm:s6], $0xF7A  }
0x23: {  	s9 =	sor.u32 $0xD0000000, s2;
	s6 =	simm.s32 $0x108;
	_ =	swait.ge @!p0 [sflag:s8], $0x0  }
0x24: {  	s3 =	sadd.s32 $0x88, s3;
	s6 =	simm.s32 @!p1 $0x1082;
	[sflag:s4] =	ssyncset.s32 $0xFFFFF086  }
0x25: {  	[simem:s6], [sflag:s4] =	dma.local [hbm:s3], $0xF7A  }
0x26: {  	[smem:$0x3F9E] =	sst s1;
	(tag) =	ssettag s2;
	_ =	strace s9  }
0x27: {  	s1 =	sld [smem:$0x3FAE]  }
0x28: {  	s2 =	sld [smem:$0x3FAF]  }
0x29: {  	s4 =	sld [smem:$0x3FB1]  }
0x2a: {  	p0 =	seq.s32 s5, $0x0;
	s5 =	sld [smem:$0x3FB2]  }
0x2b: {  	s6 =	sld [smem:$0x3FB3]  }
0x2c: {  	s7 =	sld [smem:$0x3FB4]  }
0x2d: {  	s3 =	simm.s32 $0x108;
	s8 =	sld [smem:$0x3FB5]  }
0x2e: {  	s3 =	simm.s32 @!p0 $0x1082;
	s9 =	sld [smem:$0x3FB6]  }
0x2f: {  	lr =	sadd.s32 s0, s3;
	s0 =	sld [smem:$0x3FAD]  }
0x30: {  	s3 =	sld [smem:$0x3FB0]  }
0x31: {  	[smem:$0x3FB9] =	sst s10  }
0x32: {  	s10 =	sld [smem:$0x3FB7];
	_ =	sdelay $0x3  }
0x33: {  	p0 =	seq.s32 s10, $0x1;
	s10 =	sld [smem:$0x3FB9];
	_ =	sdelay $0x3  }
0x34: {  	[smem:$0x3FB9] =	sst s10  }
0x35: {  	s10 =	sld [smem:$0x3FB8];
	_ =	sdelay $0x3  }
0x36: {  	p1 =	seq.s32 s10, $0x1;
	s10 =	sld [smem:$0x3FB9];
	_ =	sdelay $0x3  }
0x37: {  	[smem:$0x3FB9] =	sst s10  }
0x38: {  	s10 =	sld [smem:$0x3FBA]  }
0x39: {  	_ = 	snop;
	(pc) =	sbr.ind lr, $3  }
0x3a: {  	_ = 	snop  }
0x3b: {  	_ = 	snop  }
0x3c: {  	p2 =	seq.s32 s10, $0x1;
	s10 =	sld [smem:$0x3FB9]  }
0x3d: {  	_ =	shalt  }
0x3e: {  	_ =	shalt  }
0x3f: {  	_ =	shalt  }
0x40: {  	_ =	shalt  }
0x41: {  	_ =	shalt  }
0x42: {  	_ =	shalt  }
0x43: {  	_ =	shalt  }
0x44: {  	_ =	shalt  }
0x45: {  	_ =	shalt  }
0x46: {  	_ =	shalt  }
0x47: {  	_ =	shalt  }
0x48: {  	_ =	shalt  }
0x49: {  	_ =	shalt  }
0x4a: {  	_ =	shalt  }
0x4b: {  	_ =	shalt  }
0x4c: {  	_ =	shalt  }
0x4d: {  	_ =	shalt  }
0x4e: {  	_ =	shalt  }
0x4f: {  	_ =	shalt  }
0x50: {  	_ =	shalt  }
0x51: {  	_ =	shalt  }
0x52: {  	_ =	shalt  }
0x53: {  	_ =	shalt  }
0x54: {  	_ =	shalt  }
0x55: {  	_ =	shalt  }
0x56: {  	_ =	shalt  }
0x57: {  	_ =	shalt  }
0x58: {  	_ =	shalt  }
0x59: {  	_ =	shalt  }
0x5a: {  	_ =	shalt  }
0x5b: {  	_ =	shalt  }
0x5c: {  	_ =	shalt  }
0x5d: {  	_ =	shalt  }
0x5e: {  	_ =	shalt  }
0x5f: {  	_ =	shalt  }
0x60: {  	_ =	shalt  }
0x61: {  	_ =	shalt  }
0x62: {  	_ =	shalt  }
0x63: {  	_ =	shalt  }
0x64: {  	_ =	shalt  }
0x65: {  	_ =	shalt  }
0x66: {  	_ =	shalt  }
0x67: {  	_ =	shalt  }
0x68: {  	_ =	shalt  }
0x69: {  	_ =	shalt  }
0x6a: {  	_ =	shalt  }
0x6b: {  	_ =	shalt  }
0x6c: {  	_ =	shalt  }
0x6d: {  	_ =	shalt  }
0x6e: {  	_ =	shalt  }
0x6f: {  	_ =	shalt  }
0x70: {  	_ =	shalt  }
0x71: {  	_ =	shalt  }
0x72: {  	_ =	shalt  }
0x73: {  	_ =	shalt  }
0x74: {  	_ =	shalt  }
0x75: {  	_ =	shalt  }
0x76: {  	_ =	shalt  }
0x77: {  	_ =	shalt  }
0x78: {  	_ =	shalt  }
0x79: {  	_ =	shalt  }
0x7a: {  	_ =	shalt  }
0x7b: {  	_ =	shalt  }
0x7c: {  	_ =	shalt  }
0x7d: {  	_ =	shalt  }
0x7e: {  	_ =	shalt  }
0x7f: {  	_ =	shalt  }
0x80: {  	_ =	shalt  }
0x81: {  	_ =	shalt  }
0x82: {  	_ =	shalt  }
0x83: {  	_ =	shalt  }
0x84: {  	_ =	shalt  }
0x85: {  	_ =	shalt  }
0x86: {  	_ =	shalt  }
0x87: {  	_ =	shalt  }
.Lfunc_end0:
.L_simem_size_0:
called_computation.4_lowered:
.L_overlay_start_0:
0x88: {  	s2 =	sld [smem:$0x3FD9]  }
0x89: {  	s3 =	sld [smem:$0x3FFE];
	_ =	sdelay $0x1  }
0x8a: {  	s1 =	srdreg.scid  }
0x8b: {  	s0 =	sand.u32 $0x1, s1  }
0x8c: {  	s17 =	sshll.u32 s0, $0xA;
	s2 =	sadd.s32 s3, s2  }
0x8d: {  	s2 =	sadd.s32 s2, s17  }
0x8e: {  	[smem:$0x3FC5] =	sst s2  }
0x8f: {  	_ = 	snop  }
0x90: {  	s2 =	sld [smem:$0x3FD0];
	(tm) =	ssettm $0x1  }
0x91: {  	s18 =	sld [smem:$0x3FFB];
	_ =	sdelay $0x3  }
0x92: {  	_ =	strace s18  }
0x93: {  	s3 =	sld [smem:$0x3FFC];
	_ =	sdelay $0x3  }
0x94: {  	_ =	strace s3  }
0x95: {  	s3 =	sld [smem:$0x3FFD];
	_ =	sdelay $0x3  }
0x96: {  	_ =	strace s3  }
0x97: {  	_ =	strace $0x8FFFFFFF  }
0x98: {  	s19 =	sld [smem:$0x3FDB];
	_ =	sdelay $0x1  }
0x99: {  	s4 =	simm.s32 $_scs_section_size  }
0x9a: {  	s5 =	simm.s32 $_size__tile_overlayer_lowered;
	s6 =	simm.s32 $_tile_overlayer_lowered  }
0x9b: {  	s22 =	simm.s32 $0x1BFF;
	s21 =	sshll.u32 s6, $0x1;
	s3 =	sadd.s32 s4, s19  }
0x9c: {  	s7 =	simm.s32 $0x0;
	s20 =	sshll.u32 s5, $0x1;
	s5 =	sadd.s32 s21, s3  }
0x9d: {  	[timem:s7], [sflag:s22] =	dma.local [hbm:s5], s20  }
0x9e: {  	_ =	swait.ge [sflag:s22], s20  }
0x9f: {  	s4 =	ssub.s32 $0x0, s20;
	[sflag:s22] =	ssyncset.done $0x0  }
0xa0: {  	[sflag:s22] =	ssyncadd.s32 s4;
	_ =	sdelay $0x1  }
0xa1: {  	s23 =	simm.s32 $0x1B8B  }
0xa2: {  	_ =	swait.ge [sflag:s23], $0x1  }
0xa3: {  	[sflag:s23] =	ssyncset.done $0x0  }
0xa4: {  	s25 =	simm.s32 $0x1B8E;
	s24 =	sld [smem:$0x3FFE];
	[sflag:s23] =	ssyncadd.s32 $0xFFFFFFFF  }
0xa5: {  	s26 =	simm.s32 $execute0_lowered;
	[smem:$0x3FD2] =	sst s25  }
0xa6: {  	s5 =	sshll.u32 s26, $0x1;
	_ =	strace $0x80000049;
	[dreg:$0x1] =	wrdreg $0xFFFFFFFF  }
0xa7: {  	s28 =	simm.s32 $_size_execute0_lowered;
	s3 =	sadd.s32 s3, s5;
	[dreg:$0x0] =	wrdreg $0x0  }
0xa8: {  	s5 =	sshll.u32 s28, $0x1;
	[dreg:$0x2] =	wrdreg s3  }
0xa9: {  	[dreg:$0x3] =	wrdreg s5  }
0xaa: {  	[dreg:$0x4] =	wrdreg $0xC0  }
0xab: {  	_ =	task [dreg:s7], $0x5FFFF  }
0xac: {  	[dreg:$0x1] =	wrdreg $0xFFFFFFFF  }
0xad: {  	[dreg:$0x0] =	wrdreg $0x60  }
0xae: {  	[dreg:$0x2] =	wrdreg s24  }
0xaf: {  	[dreg:$0x3] =	wrdreg s2  }
0xb0: {  	[dreg:$0x4] =	wrdreg $0x9  }
0xb1: {  	_ =	task.clear_ibuf [dreg:s7], $0x5FFFF;
	_ =	strace $0x90000049  }
0xb2: {  	s29 =	simm.s32 $0x9;
	_ =	strace $0x8000004B  }
0xb3: {  	_ =	swait.ge [sflag:s29], $0x1  }
0xb4: {  	[sflag:s29] =	ssyncadd.s32 $0xFFFFFFFF  }
0xb5: {  	_ =	strace $0x9000004B  }
0xb6: {  	_ =	sfence  }
0xb7: {  	s30 =	sld [smem:$0x0];
	_ =	sdelay $0x2  }
0xb8: {  	s31 =	sshll.u32 s1, $0xD;
	s1 =	sshrl.u32 s1, $0x2  }
0xb9: {  	s3 =	sand.u32 $0x4000, s31;
	s1 =	sadd.s32 s1, s30  }
0xba: {  	s0 =	sor.u32 s3, s0;
	s1 =	sshll.u32 s1, $0x11  }
0xbb: {  	s0 =	sor.u32 s1, s0  }
0xbc: {  	s0 =	sadd.s32 $0x8F2B, s0  }
0xbd: {  	[sflag:s0] =	ssyncadd.remote.s32 $0x1  }
0xbe: {  	_ =	sfence.sel $0xFFFF  }
0xbf: {  	[dreg:$0x0] =	wrdreg $0xFFFFFFFF;
	(pc) =	sbr.abs _section_cstart, $3  }
0xc0: {  	[dreg:$0x1] =	wrdreg $0xFFFFFFFF  }
0xc1: {  	_ =	task.clear_ibuf [dreg:s7], $0x2FFFF;
	_ =	strace $0x9FFFFFFF  }
0xc2: {  	(tm) =	ssettm $0x7FFFFFFF  }
0xc3: {  	_ =	shalt  }
tec
execute0_lowered:
.L_overlay_start_1:
0x0: {  	(tag) =	ssettag $0x1  }
0x1: {  	s4 =	rddreg [dreg:$0x0]  }
0x2: {  	s2 =	rddreg [dreg:$0x1]  }
0x3: {  	s0 =	rddreg [dreg:$0x2]  }
0x4: {  	s1 =	stileid.u32;
	s6 =	srdreg.scid  }
0x5: {  	s3 =	simm.s32 $0x0;
	s10 =	simm.s32 $0x7080;
	s5 =	smul.u32 $0x1900, s1  }
0x6: {  	s11 =	simm.s32 $0x1;
	s7 =	smul.u32 $0x19000, s1;
	s6 =	sand.u32 $0x1, s6  }
0x7: {  	s12 =	simm.s32 $0x0;
	[smem:$0x7FF] =	sst s3;
	s8 =	smul.u32 $0xC80, s6  }
0x8: {  	_ =	strace $0x8000004A;
	s9 =	ssub.s32 $0x2, s6;
	s6 =	smul.u32 $0xC800, s6  }
0x9: {  	s5 =	sadd.s32 s5, s4;
	s4 =	sadd.s32 s7, s4;
	s31 =	sshrl.u32 s9, $0x1  }
0xa: {  	s7 =	ssub.s32 s9, s31;
	s5 =	sadd.s32 s8, s5;
	s6 =	sadd.s32 s6, s4  }
0xb: {  	s8 =	simm.s32 $0x640;
	s9 =	simm.s32 $0xC80;
	s4 =	smax.u32 s7, $0x1  }
0xc: {  	s5 =	sadd.s32 $0x112C200, s5;
	s6 =	sadd.s32 $0x1800, s6;
	s7 =	simm.s32 $0x2  }
.LBB2_1:
0xd: {  	s13 =	sadd.s32 $0x0, s5  }
0xe: {  	[tilespmem:s3], [sflag:$0x2] =	stream.linear.gather [hbm4b:s13+s3], $0xC80, $0x38;
	[tilespmem:$0xD480] =	vst v63  }
0xf: {  	_ =	swait.ge [sflag:s7], $0xC80  }
0x10: {  	[sflag:s7] =	ssyncset.done $0x0  }
0x11: {  	[sflag:s7] =	ssyncadd.s32 $0xFFFFF380  }
0x12: {  	[tilespmem:s9], [sflag:$0x1] =	stream.indirect.gather [hbm4b:s2+s8], $0x10, s3, s8, $0xb8;
	[tilespmem:$0xD480] =	vst v63  }
0x13: {  	_ = 	snop  }
0x14: {  	[tilespmem:s10], [sflag:$0x1] =	stream.indirect.gather [hbm4b:s2+s8], $0x10, s8, s8, $0xb8;
	[tilespmem:$0xD480] =	vst v63  }
0x15: {  	_ =	swait.ge [sflag:s11], $0x6400  }
0x16: {  	[sflag:s11] =	ssyncset.done $0x0  }
0x17: {  	[sflag:s11] =	ssyncadd.s32 $0xFFFF9C00  }
0x18: {  	_ =	swait.ge [sflag:s11], $0x6400  }
0x19: {  	[sflag:s11] =	ssyncset.done $0x0  }
0x1a: {  	[sflag:s11] =	ssyncadd.s32 $0xFFFF9C00  }
0x1b: {  	[hbm4b:s6+s3] =	stream.linear.scatter [tilespmem:s9], [sflag:$0x2], $0xC800, $0x38;
	[tilespmem:$0xD480] =	vst v63  }
0x1c: {  	s14 =	simm.s32 $0x190;
	_ =	swait.ge [sflag:s7], $0xC800  }
0x1d: {  	s15 =	simm.s32 $0x320;
	s13 =	sadd.s32 $0x1900, s6;
	[sflag:s7] =	ssyncset.done $0x0  }
.LBB2_2:
0x1e: {  	s16 =	sadd.s32 s14, s5  }
0x1f: {  	[sflag:s7] =	ssyncadd.s32 $0xFFFF3800;
	s14 =	smov.u32 s15;
	s17 =	sadd.s32 $0x190, s15  }
0x20: {  	[tilespmem:s3], [sflag:$0x2] =	stream.linear.gather [hbm4b:s16+s3], $0xC80, $0x38;
	[tilespmem:$0xD480] =	vst v63  }
0x21: {  	p0 =	sne.s32 s15, $0xAF0;
	_ =	swait.ge [sflag:s7], $0xC80  }
0x22: {  	[sflag:s7] =	ssyncset.done $0x0  }
0x23: {  	[sflag:s7] =	ssyncadd.s32 $0xFFFFF380  }
0x24: {  	[tilespmem:s9], [sflag:$0x1] =	stream.indirect.gather [hbm4b:s2+s8], $0x10, s3, s8, $0xb8;
	[tilespmem:$0xD480] =	vst v63  }
0x25: {  	_ = 	snop  }
0x26: {  	[tilespmem:s10], [sflag:$0x1] =	stream.indirect.gather [hbm4b:s2+s8], $0x10, s8, s8, $0xb8;
	[tilespmem:$0xD480] =	vst v63  }
0x27: {  	_ =	swait.ge [sflag:s11], $0x6400  }
0x28: {  	[sflag:s11] =	ssyncset.done $0x0  }
0x29: {  	[sflag:s11] =	ssyncadd.s32 $0xFFFF9C00  }
0x2a: {  	_ =	swait.ge [sflag:s11], $0x6400  }
.Ltmp0:
0x2b: {  	[sflag:s11] =	ssyncset.done $0x0;
	(pc) =	sbr.rel @p0 .LBB2_2-.Ltmp0, $4  }
0x2c: {  	[sflag:s11] =	ssyncadd.s32 $0xFFFF9C00  }
0x2d: {  	[hbm4b:s13+s3] =	stream.linear.scatter [tilespmem:s9], [sflag:$0x2], $0xC800, $0x38;
	[tilespmem:$0xD480] =	vst v63  }
0x2e: {  	_ =	swait.ge [sflag:s7], $0xC800  }
0x2f: {  	s15 =	smov.u32 s17;
	s13 =	sadd.s32 $0x1900, s13;
	[sflag:s7] =	ssyncset.done $0x0  }
0x30: {  	s14 =	sadd.s32 s14, s5;
	[sflag:s7] =	ssyncadd.s32 $0xFFFF3800  }
0x31: {  	[tilespmem:s3], [sflag:$0x2] =	stream.linear.gather [hbm4b:s14+s3], $0xC80, $0x38;
	[tilespmem:$0xD480] =	vst v63  }
0x32: {  	_ =	swait.ge [sflag:s7], $0xC80  }
0x33: {  	[sflag:s7] =	ssyncset.done $0x0  }
0x34: {  	[sflag:s7] =	ssyncadd.s32 $0xFFFFF380  }
0x35: {  	[tilespmem:s9], [sflag:$0x1] =	stream.indirect.gather [hbm4b:s2+s8], $0x10, s3, s8, $0xb8;
	[tilespmem:$0xD480] =	vst v63  }
0x36: {  	_ = 	snop  }
0x37: {  	[tilespmem:s10], [sflag:$0x1] =	stream.indirect.gather [hbm4b:s2+s8], $0x10, s8, s8, $0xb8;
	[tilespmem:$0xD480] =	vst v63  }
0x38: {  	_ =	swait.ge [sflag:s11], $0x6400  }
0x39: {  	[sflag:s11] =	ssyncset.done $0x0  }
0x3a: {  	[sflag:s11] =	ssyncadd.s32 $0xFFFF9C00  }
0x3b: {  	s12 =	sadd.s32 $0x1, s12;
	_ =	swait.ge [sflag:s11], $0x6400  }
0x3c: {  	p0 =	sne.s32 s12, s4;
	[sflag:s11] =	ssyncset.done $0x0  }
.Ltmp1:
0x3d: {  	[sflag:s11] =	ssyncadd.s32 $0xFFFF9C00;
	(pc) =	sbr.rel @p0 .LBB2_1-.Ltmp1, $4  }
0x3e: {  	[hbm4b:s13+s3] =	stream.linear.scatter [tilespmem:s9], [sflag:$0x2], $0xC800, $0x38;
	[tilespmem:$0xD480] =	vst v63  }
0x3f: {  	_ =	swait.ge [sflag:s7], $0xC800  }
0x40: {  	[sflag:s7] =	ssyncset.done $0x0  }
0x41: {  	[sflag:s7] =	ssyncadd.s32 $0xFFFF3800  }
0x42: {  	_ =	sfence.sel $0x180000  }
0x43: {  	[bflag:$0x0] =	sbarrier.arrive $0xFFFF  }
0x44: {  	p0 =	sne.s32 s1, $0x0;
	_ =	strace $0x9000004A  }
0x45: {  	s0 =	sadd.s32 @!p0 $0x100000, s0;
	[bflag:$0x2] =	sbarrier.arrive $0xFFFF  }
0x46: {  	[sflag:s0] =	ssyncadd.tile.s32 @!p0 $0x1;
	_ =	shalt  }
.Lfunc_end2:
_tile_overlayer_lowered:
.L_overlay_start_2:
0x47: {  	(tag) =	ssettag $0x2  }
0x48: {  	s0 =	rddreg [dreg:$0x0];
	s2 =	stileid.u32  }
0x49: {  	s1 =	rddreg [dreg:$0x1];
	p0 =	sne.s32 s2, $0x0  }
0x4a: {  	s3 =	rddreg [dreg:$0x2];
	[bflag:$0x3] =	sbarrier.arrive $0xFFFF;
	s2 =	simm.s32 @!p0 $0x1C02  }
0x4b: {  	[timem:s3], [sflag:s2] =	dma.local @!p0 [hbm:s0], s1  }
0x4c: {  	s0 =	simm.s32 @!p0 $0x2  }
0x4d: {  	_ =	swait.ge @!p0 [sflag:s0], s1  }
0x4e: {  	s1 =	ssub.s32 @!p0 $0x0, s1;
	[sflag:s0] =	ssyncset.done @!p0 $0x0  }
0x4f: {  	[sflag:s0] =	ssyncadd.s32 @!p0 s1  }
0x50: {  	[bflag:$0x3] =	sbarrier.arrive $0xFFFF  }
0x51: {  	_ =	shalt  }

// kernel: kernel.8.cloned.1.call-start
scs
__scs_entry_jumppad:
0x0: {  	(pc) =	sbr.rel $0x88, $3  }
0x1: {  	(tag) =	ssettag $0x0;
	lr =	simm.s32 $0x1  }
0x2: {  	[smem:$0x3F9E] =	sst lr;
	_ =	strace $0xD0000000  }
0x3: {  	_ = 	snop  }
0x4: {  	_ = 	snop  }
0x5: {  	_ = 	snop  }
0x6: {  	_ = 	snop  }
0x7: {  	_ = 	snop  }
__scs_overlays_trampoline_lowered:
0x8: {  	[smem:$0x3FAD] =	sst s0  }
0x9: {  	[smem:$0x3FAE] =	sst s1  }
0xa: {  	[smem:$0x3FAF] =	sst s2  }
0xb: {  	[smem:$0x3FB0] =	sst s3  }
0xc: {  	[smem:$0x3FB1] =	sst s4  }
0xd: {  	[smem:$0x3FB2] =	sst s5  }
0xe: {  	[smem:$0x3FB3] =	sst s6  }
0xf: {  	[smem:$0x3FB4] =	sst s7  }
0x10: {  	[smem:$0x3FB5] =	sst s8  }
0x11: {  	[smem:$0x3FB6] =	sst s9;
	s0 =	simm.s32 @!p0 $0x0  }
0x12: {  	s1 =	sld [smem:$0x3F9C];
	s0 =	simm.s32 @p0 $0x1  }
0x13: {  	[smem:$0x3FB7] =	sst s0;
	s0 =	simm.s32 @!p1 $0x0  }
0x14: {  	s2 =	sld [smem:$0x3F9B];
	s0 =	simm.s32 @p1 $0x1  }
0x15: {  	[smem:$0x3FB8] =	sst s0;
	s0 =	simm.s32 @!p2 $0x0  }
0x16: {  	s3 =	sld [smem:$0x3FDB];
	s0 =	simm.s32 @p2 $0x1  }
0x17: {  	s4 =	simm.s32 $0x1BF5;
	[smem:$0x3FBA] =	sst s0  }
0x18: {  	s0 =	sld [smem:$0x3F9D];
	_ =	swait.ge [sflag:s4], $0x0  }
0x19: {  	s7 =	sld [smem:$0x3F9E]  }
0x1a: {  	s8 =	sadd.s32 $0xFFFFE003, lr  }
0x1b: {  	s9 =	sadd.s32 $0xFFFFFEF7, lr;
	s5 =	simm.s32 $0xFFFFFFFF;
	p2 =	slt.u32 s8, $0xFFFFF086  }
0x1c: {  	p1 =	slt.u32 s9, $0xF7A;
	s5 =	simm.s32 @!p2 $0x0  }
0x1d: {  	s5 =	simm.s32 @p1 $0x1;
	p0 =	seq.s32 s7, s2  }
0x1e: {  	s7 =	smul.u32 @!p0 $0xF7A, s2;
	p2 =	seq.s32 @!p0 s5, $0x0  }
0x1f: {  	s9 =	smul.u32 $0xF7A, s1;
	s8 =	simm.s32 @!p0 $0x1BF5;
	p2 =	por !p2, p0  }
0x20: {  	[sflag:s8] =	ssyncset.s32 @!p0 $0xFFFFF086;
	s6 =	sadd.s32 @!p0 s3, s7;
	s7 =	simm.s32 @!p0 $0x108  }
0x21: {  	s3 =	sadd.s32 s3, s9;
	s6 =	sadd.s32 @!p0 $0x88, s6;
	s7 =	simm.s32 @p2 $0x1082  }
0x22: {  	[simem:s7], [sflag:s8] =	dma.local @!p0 [hbm:s6], $0xF7A  }
0x23: {  	s9 =	sor.u32 $0xD0000000, s2;
	s6 =	simm.s32 $0x108;
	_ =	swait.ge @!p0 [sflag:s8], $0x0  }
0x24: {  	s3 =	sadd.s32 $0x88, s3;
	s6 =	simm.s32 @!p1 $0x1082;
	[sflag:s4] =	ssyncset.s32 $0xFFFFF086  }
0x25: {  	[simem:s6], [sflag:s4] =	dma.local [hbm:s3], $0xF7A  }
0x26: {  	[smem:$0x3F9E] =	sst s1;
	(tag) =	ssettag s2;
	_ =	strace s9  }
0x27: {  	s1 =	sld [smem:$0x3FAE]  }
0x28: {  	s2 =	sld [smem:$0x3FAF]  }
0x29: {  	s4 =	sld [smem:$0x3FB1]  }
0x2a: {  	p0 =	seq.s32 s5, $0x0;
	s5 =	sld [smem:$0x3FB2]  }
0x2b: {  	s6 =	sld [smem:$0x3FB3]  }
0x2c: {  	s7 =	sld [smem:$0x3FB4]  }
0x2d: {  	s3 =	simm.s32 $0x108;
	s8 =	sld [smem:$0x3FB5]  }
0x2e: {  	s3 =	simm.s32 @!p0 $0x1082;
	s9 =	sld [smem:$0x3FB6]  }
0x2f: {  	lr =	sadd.s32 s0, s3;
	s0 =	sld [smem:$0x3FAD]  }
0x30: {  	s3 =	sld [smem:$0x3FB0]  }
0x31: {  	[smem:$0x3FB9] =	sst s10  }
0x32: {  	s10 =	sld [smem:$0x3FB7];
	_ =	sdelay $0x3  }
0x33: {  	p0 =	seq.s32 s10, $0x1;
	s10 =	sld [smem:$0x3FB9];
	_ =	sdelay $0x3  }
0x34: {  	[smem:$0x3FB9] =	sst s10  }
0x35: {  	s10 =	sld [smem:$0x3FB8];
	_ =	sdelay $0x3  }
0x36: {  	p1 =	seq.s32 s10, $0x1;
	s10 =	sld [smem:$0x3FB9];
	_ =	sdelay $0x3  }
0x37: {  	[smem:$0x3FB9] =	sst s10  }
0x38: {  	s10 =	sld [smem:$0x3FBA]  }
0x39: {  	_ = 	snop;
	(pc) =	sbr.ind lr, $3  }
0x3a: {  	_ = 	snop  }
0x3b: {  	_ = 	snop  }
0x3c: {  	p2 =	seq.s32 s10, $0x1;
	s10 =	sld [smem:$0x3FB9]  }
0x3d: {  	_ =	shalt  }
0x3e: {  	_ =	shalt  }
0x3f: {  	_ =	shalt  }
0x40: {  	_ =	shalt  }
0x41: {  	_ =	shalt  }
0x42: {  	_ =	shalt  }
0x43: {  	_ =	shalt  }
0x44: {  	_ =	shalt  }
0x45: {  	_ =	shalt  }
0x46: {  	_ =	shalt  }
0x47: {  	_ =	shalt  }
0x48: {  	_ =	shalt  }
0x49: {  	_ =	shalt  }
0x4a: {  	_ =	shalt  }
0x4b: {  	_ =	shalt  }
0x4c: {  	_ =	shalt  }
0x4d: {  	_ =	shalt  }
0x4e: {  	_ =	shalt  }
0x4f: {  	_ =	shalt  }
0x50: {  	_ =	shalt  }
0x51: {  	_ =	shalt  }
0x52: {  	_ =	shalt  }
0x53: {  	_ =	shalt  }
0x54: {  	_ =	shalt  }
0x55: {  	_ =	shalt  }
0x56: {  	_ =	shalt  }
0x57: {  	_ =	shalt  }
0x58: {  	_ =	shalt  }
0x59: {  	_ =	shalt  }
0x5a: {  	_ =	shalt  }
0x5b: {  	_ =	shalt  }
0x5c: {  	_ =	shalt  }
0x5d: {  	_ =	shalt  }
0x5e: {  	_ =	shalt  }
0x5f: {  	_ =	shalt  }
0x60: {  	_ =	shalt  }
0x61: {  	_ =	shalt  }
0x62: {  	_ =	shalt  }
0x63: {  	_ =	shalt  }
0x64: {  	_ =	shalt  }
0x65: {  	_ =	shalt  }
0x66: {  	_ =	shalt  }
0x67: {  	_ =	shalt  }
0x68: {  	_ =	shalt  }
0x69: {  	_ =	shalt  }
0x6a: {  	_ =	shalt  }
0x6b: {  	_ =	shalt  }
0x6c: {  	_ =	shalt  }
0x6d: {  	_ =	shalt  }
0x6e: {  	_ =	shalt  }
0x6f: {  	_ =	shalt  }
0x70: {  	_ =	shalt  }
0x71: {  	_ =	shalt  }
0x72: {  	_ =	shalt  }
0x73: {  	_ =	shalt  }
0x74: {  	_ =	shalt  }
0x75: {  	_ =	shalt  }
0x76: {  	_ =	shalt  }
0x77: {  	_ =	shalt  }
0x78: {  	_ =	shalt  }
0x79: {  	_ =	shalt  }
0x7a: {  	_ =	shalt  }
0x7b: {  	_ =	shalt  }
0x7c: {  	_ =	shalt  }
0x7d: {  	_ =	shalt  }
0x7e: {  	_ =	shalt  }
0x7f: {  	_ =	shalt  }
0x80: {  	_ =	shalt  }
0x81: {  	_ =	shalt  }
0x82: {  	_ =	shalt  }
0x83: {  	_ =	shalt  }
0x84: {  	_ =	shalt  }
0x85: {  	_ =	shalt  }
0x86: {  	_ =	shalt  }
0x87: {  	_ =	shalt  }
.Lfunc_end0:
.L_simem_size_0:
called_computation.5_lowered:
.L_overlay_start_0:
0x88: {  	s2 =	sld [smem:$0x3FD9]  }
0x89: {  	s3 =	sld [smem:$0x3FFE];
	_ =	sdelay $0x1  }
0x8a: {  	s1 =	srdreg.scid  }
0x8b: {  	s0 =	sand.u32 $0x1, s1  }
0x8c: {  	s17 =	sshll.u32 s0, $0xA;
	s2 =	sadd.s32 s3, s2  }
0x8d: {  	s2 =	sadd.s32 s2, s17  }
0x8e: {  	[smem:$0x3FC5] =	sst s2  }
0x8f: {  	_ = 	snop  }
0x90: {  	(tm) =	ssettm $0x1  }
0x91: {  	s18 =	sld [smem:$0x3FFB];
	_ =	sdelay $0x3  }
0x92: {  	_ =	strace s18  }
0x93: {  	s2 =	sld [smem:$0x3FFC];
	_ =	sdelay $0x3  }
0x94: {  	_ =	strace s2  }
0x95: {  	s2 =	sld [smem:$0x3FFD];
	_ =	sdelay $0x3  }
0x96: {  	_ =	strace s2  }
0x97: {  	_ =	strace $0x8FFFFFFF  }
0x98: {  	s19 =	sld [smem:$0x3FDB];
	_ =	sdelay $0x1  }
0x99: {  	s20 =	simm.s32 $_scs_section_size  }
0x9a: {  	s4 =	simm.s32 $_size__tile_overlayer_lowered;
	s5 =	simm.s32 $_tile_overlayer_lowered  }
0x9b: {  	s6 =	simm.s32 $0x1BFF;
	s21 =	sshll.u32 s5, $0x1;
	s3 =	sadd.s32 s20, s19  }
0x9c: {  	s22 =	simm.s32 $0x0;
	s4 =	sshll.u32 s4, $0x1;
	s5 =	sadd.s32 s21, s3  }
0x9d: {  	[timem:s22], [sflag:s6] =	dma.local [hbm:s5], s4  }
0x9e: {  	_ =	swait.ge [sflag:s6], s4  }
0x9f: {  	s4 =	ssub.s32 $0x0, s4;
	[sflag:s6] =	ssyncset.done $0x0  }
0xa0: {  	[sflag:s6] =	ssyncadd.s32 s4;
	_ =	sdelay $0x1  }
0xa1: {  	s23 =	simm.s32 $0x1B8B  }
0xa2: {  	_ =	swait.ge [sflag:s23], $0x1  }
0xa3: {  	[sflag:s23] =	ssyncset.done $0x0  }
0xa4: {  	[sflag:s23] =	ssyncadd.s32 $0xFFFFFFFF  }
0xa5: {  	s4 =	sld [smem:$0x0]  }
0xa6: {  	s5 =	sand.u32 $0xFFFFFFFE, s1  }
0xa7: {  	p0 =	sne.s32 s1, s5  }
0xa8: {  	s5 =	sshll.u32 @p0 s5, $0xE  }
0xa9: {  	s5 =	sadd.s32 @p0 $0x11B8D, s5;
	s6 =	sshll.u32 @p0 s4, $0x11  }
0xaa: {  	s5 =	sor.u32 @p0 s6, s5  }
0xab: {  	[sflag:s5] =	ssyncadd.remote.s32 @p0 $0x1;
	_ =	sdelay $0x1  }
0xac: {  	s5 =	simm.s32 @p0 $0x1B8D  }
0xad: {  	_ =	swait.eq @p0 [sflag:s5], $0x1  }
0xae: {  	[sflag:s5] =	ssyncadd.s32 @p0 $0xFFFFFFFF  }
0xaf: {  	s6 =	sshll.u32 @!p0 s1, $0xE  }
0xb0: {  	s6 =	sor.u32 @!p0 $0x4000, s6;
	s5 =	simm.s32 @!p0 $0x1B8D  }
0xb1: {  	s4 =	sshll.u32 @!p0 s4, $0x11;
	s6 =	sadd.s32 @!p0 $0x11B8D, s6;
	_ =	swait.eq @!p0 [sflag:s5], $0x1  }
0xb2: {  	s4 =	sor.u32 @!p0 s4, s6;
	[sflag:s5] =	ssyncadd.s32 @!p0 $0xFFFFFFFF  }
0xb3: {  	s25 =	simm.s32 $0x1B8E;
	s24 =	sld [smem:$0x3FFE];
	[sflag:s4] =	ssyncadd.remote.s32 @!p0 $0x1  }
0xb4: {  	s26 =	simm.s32 $execute0_lowered;
	[smem:$0x3FD2] =	sst s25  }
0xb5: {  	s5 =	sshll.u32 s26, $0x1;
	_ =	strace $0x8000004F;
	[dreg:$0x1] =	wrdreg $0xFFFFFFFF  }
0xb6: {  	s28 =	simm.s32 $_size_execute0_lowered;
	s3 =	sadd.s32 s3, s5;
	[dreg:$0x0] =	wrdreg $0x0  }
0xb7: {  	s5 =	sshll.u32 s28, $0x1;
	[dreg:$0x2] =	wrdreg s3  }
0xb8: {  	[dreg:$0x3] =	wrdreg s5  }
0xb9: {  	[dreg:$0x4] =	wrdreg $0xC0  }
0xba: {  	_ =	task [dreg:s22], $0x5FFFF  }
0xbb: {  	[dreg:$0x1] =	wrdreg $0xFFFFFFFF  }
0xbc: {  	[dreg:$0x0] =	wrdreg $0x60  }
0xbd: {  	[dreg:$0x2] =	wrdreg s24  }
0xbe: {  	[dreg:$0x3] =	wrdreg $0x9  }
0xbf: {  	_ =	task.clear_ibuf [dreg:s22], $0x4FFFF;
	_ =	strace $0x9000004F  }
0xc0: {  	s29 =	simm.s32 $0x9;
	_ =	strace $0x80000051  }
0xc1: {  	_ =	swait.ge [sflag:s29], $0x1  }
0xc2: {  	[sflag:s29] =	ssyncadd.s32 $0xFFFFFFFF  }
0xc3: {  	_ =	strace $0x90000051  }
0xc4: {  	_ =	sfence  }
0xc5: {  	s30 =	sld [smem:$0x0];
	_ =	sdelay $0x2  }
0xc6: {  	s31 =	sshll.u32 s1, $0xD;
	s1 =	sshrl.u32 s1, $0x2  }
0xc7: {  	s4 =	sand.u32 $0x4000, s31;
	s1 =	sadd.s32 s1, s30  }
0xc8: {  	s0 =	sor.u32 s4, s0;
	s1 =	sshll.u32 s1, $0x11  }
0xc9: {  	s0 =	sor.u32 s1, s0  }
0xca: {  	s0 =	sadd.s32 $0x8F2B, s0  }
0xcb: {  	[sflag:s0] =	ssyncadd.remote.s32 $0x1  }
0xcc: {  	_ =	sfence.sel $0xFFFF  }
0xcd: {  	[dreg:$0x0] =	wrdreg $0xFFFFFFFF;
	(pc) =	sbr.abs _section_cstart, $3  }
0xce: {  	[dreg:$0x1] =	wrdreg $0xFFFFFFFF  }
0xcf: {  	_ =	task.clear_ibuf [dreg:s22], $0x2FFFF;
	_ =	strace $0x9FFFFFFF  }
0xd0: {  	(tm) =	ssettm $0x7FFFFFFF  }
0xd1: {  	_ =	shalt  }
tec
execute0_lowered:
.L_overlay_start_1:
0x0: {  	(tag) =	ssettag $0x1  }
0x1: {  	s4 =	rddreg [dreg:$0x0]  }
0x2: {  	s0 =	rddreg [dreg:$0x1]  }
0x3: {  	s1 =	stileid.u32;
	s2 =	simm.s32 $0x0;
	s5 =	srdreg.scid  }
0x4: {  	s10 =	simm.s32 $0x3E80;
	s11 =	simm.s32 $0x1;
	s3 =	smul.u32 $0x1900, s1  }
0x5: {  	[smem:$0x7FF] =	sst s2;
	s6 =	smul.u32 $0xC800, s1;
	s5 =	sand.u32 $0x1, s5  }
0x6: {  	s12 =	simm.s32 $0x0;
	_ =	strace $0x80000050;
	s7 =	smul.u32 $0xC80, s5  }
0x7: {  	s9 =	ssub.s32 $0x2, s5;
	s5 =	smul.u32 $0x6400, s5;
	s8 =	sadd.s32 s3, s4  }
0x8: {  	s3 =	sadd.s32 $0x191800, s4;
	s4 =	sadd.s32 s6, s4;
	s30 =	sshrl.u32 s9, $0x1  }
0x9: {  	s6 =	ssub.s32 s9, s30;
	s7 =	sadd.s32 s7, s8;
	s31 =	sadd.s32 s5, s4  }
0xa: {  	s8 =	simm.s32 $0x640;
	s9 =	simm.s32 $0xC80;
	s4 =	smax.u32 s6, $0x1  }
0xb: {  	s5 =	sadd.s32 $0x112C200, s7;
	s6 =	sadd.s32 $0x285C00, s31;
	s7 =	simm.s32 $0x2  }
.LBB2_1:
0xc: {  	s13 =	sadd.s32 $0x0, s5  }
0xd: {  	[tilespmem:s2], [sflag:$0x2] =	stream.linear.gather [hbm4b:s13+s2], $0xC80, $0x38;
	[tilespmem:$0x7080] =	vst v63  }
0xe: {  	_ =	swait.ge [sflag:s7], $0xC80  }
0xf: {  	[sflag:s7] =	ssyncset.done $0x0  }
0x10: {  	[sflag:s7] =	ssyncadd.s32 $0xFFFFF380  }
0x11: {  	[tilespmem:s9], [sflag:$0x1] =	stream.indirect.gather [hbm4b:s3+s8], $0x1, s2, s8, $0xb8;
	[tilespmem:$0x7080] =	vst v63  }
0x12: {  	_ = 	snop  }
0x13: {  	[tilespmem:s10], [sflag:$0x1] =	stream.indirect.gather [hbm4b:s3+s8], $0x1, s8, s8, $0xb8;
	[tilespmem:$0x7080] =	vst v63  }
0x14: {  	_ =	swait.ge [sflag:s11], $0x640  }
0x15: {  	[sflag:s11] =	ssyncset.done $0x0  }
0x16: {  	[sflag:s11] =	ssyncadd.s32 $0xFFFFF9C0  }
0x17: {  	_ =	swait.ge [sflag:s11], $0x640  }
0x18: {  	[sflag:s11] =	ssyncset.done $0x0  }
0x19: {  	[sflag:s11] =	ssyncadd.s32 $0xFFFFF9C0  }
0x1a: {  	[hbm4b:s6+s2] =	stream.linear.scatter [tilespmem:s9], [sflag:$0x2], $0x6400, $0x38;
	[tilespmem:$0x7080] =	vst v63  }
0x1b: {  	s14 =	simm.s32 $0x190;
	_ =	swait.ge [sflag:s7], $0x6400  }
0x1c: {  	s15 =	simm.s32 $0x320;
	s13 =	sadd.s32 $0xC80, s6;
	[sflag:s7] =	ssyncset.done $0x0  }
.LBB2_2:
0x1d: {  	s16 =	sadd.s32 s14, s5  }
0x1e: {  	[sflag:s7] =	ssyncadd.s32 $0xFFFF9C00;
	s14 =	smov.u32 s15;
	s17 =	sadd.s32 $0x190, s15  }
0x1f: {  	[tilespmem:s2], [sflag:$0x2] =	stream.linear.gather [hbm4b:s16+s2], $0xC80, $0x38;
	[tilespmem:$0x7080] =	vst v63  }
0x20: {  	p0 =	sne.s32 s15, $0xAF0;
	_ =	swait.ge [sflag:s7], $0xC80  }
0x21: {  	[sflag:s7] =	ssyncset.done $0x0  }
0x22: {  	[sflag:s7] =	ssyncadd.s32 $0xFFFFF380  }
0x23: {  	[tilespmem:s9], [sflag:$0x1] =	stream.indirect.gather [hbm4b:s3+s8], $0x1, s2, s8, $0xb8;
	[tilespmem:$0x7080] =	vst v63  }
0x24: {  	_ = 	snop  }
0x25: {  	[tilespmem:s10], [sflag:$0x1] =	stream.indirect.gather [hbm4b:s3+s8], $0x1, s8, s8, $0xb8;
	[tilespmem:$0x7080] =	vst v63  }
0x26: {  	_ =	swait.ge [sflag:s11], $0x640  }
0x27: {  	[sflag:s11] =	ssyncset.done $0x0  }
0x28: {  	[sflag:s11] =	ssyncadd.s32 $0xFFFFF9C0  }
0x29: {  	_ =	swait.ge [sflag:s11], $0x640  }
.Ltmp0:
0x2a: {  	[sflag:s11] =	ssyncset.done $0x0;
	(pc) =	sbr.rel @p0 .LBB2_2-.Ltmp0, $4  }
0x2b: {  	[sflag:s11] =	ssyncadd.s32 $0xFFFFF9C0  }
0x2c: {  	[hbm4b:s13+s2] =	stream.linear.scatter [tilespmem:s9], [sflag:$0x2], $0x6400, $0x38;
	[tilespmem:$0x7080] =	vst v63  }
0x2d: {  	_ =	swait.ge [sflag:s7], $0x6400  }
0x2e: {  	s15 =	smov.u32 s17;
	s13 =	sadd.s32 $0xC80, s13;
	[sflag:s7] =	ssyncset.done $0x0  }
0x2f: {  	s14 =	sadd.s32 s14, s5;
	[sflag:s7] =	ssyncadd.s32 $0xFFFF9C00  }
0x30: {  	[tilespmem:s2], [sflag:$0x2] =	stream.linear.gather [hbm4b:s14+s2], $0xC80, $0x38;
	[tilespmem:$0x7080] =	vst v63  }
0x31: {  	_ =	swait.ge [sflag:s7], $0xC80  }
0x32: {  	[sflag:s7] =	ssyncset.done $0x0  }
0x33: {  	[sflag:s7] =	ssyncadd.s32 $0xFFFFF380  }
0x34: {  	[tilespmem:s9], [sflag:$0x1] =	stream.indirect.gather [hbm4b:s3+s8], $0x1, s2, s8, $0xb8;
	[tilespmem:$0x7080] =	vst v63  }
0x35: {  	_ = 	snop  }
0x36: {  	[tilespmem:s10], [sflag:$0x1] =	stream.indirect.gather [hbm4b:s3+s8], $0x1, s8, s8, $0xb8;
	[tilespmem:$0x7080] =	vst v63  }
0x37: {  	_ =	swait.ge [sflag:s11], $0x640  }
0x38: {  	[sflag:s11] =	ssyncset.done $0x0  }
0x39: {  	[sflag:s11] =	ssyncadd.s32 $0xFFFFF9C0  }
0x3a: {  	s12 =	sadd.s32 $0x1, s12;
	_ =	swait.ge [sflag:s11], $0x640  }
0x3b: {  	p0 =	sne.s32 s12, s4;
	[sflag:s11] =	ssyncset.done $0x0  }
.Ltmp1:
0x3c: {  	[sflag:s11] =	ssyncadd.s32 $0xFFFFF9C0;
	(pc) =	sbr.rel @p0 .LBB2_1-.Ltmp1, $4  }
0x3d: {  	[hbm4b:s13+s2] =	stream.linear.scatter [tilespmem:s9], [sflag:$0x2], $0x6400, $0x38;
	[tilespmem:$0x7080] =	vst v63  }
0x3e: {  	_ =	swait.ge [sflag:s7], $0x6400  }
0x3f: {  	[sflag:s7] =	ssyncset.done $0x0  }
0x40: {  	[sflag:s7] =	ssyncadd.s32 $0xFFFF9C00  }
0x41: {  	_ =	sfence.sel $0x180000  }
0x42: {  	[bflag:$0x0] =	sbarrier.arrive $0xFFFF  }
0x43: {  	p0 =	sne.s32 s1, $0x0;
	_ =	strace $0x90000050  }
0x44: {  	s0 =	sadd.s32 @!p0 $0x100000, s0;
	[bflag:$0x2] =	sbarrier.arrive $0xFFFF  }
0x45: {  	[sflag:s0] =	ssyncadd.tile.s32 @!p0 $0x1;
	_ =	shalt  }
.Lfunc_end2:
_tile_overlayer_lowered:
.L_overlay_start_2:
0x46: {  	(tag) =	ssettag $0x2  }
0x47: {  	s0 =	rddreg [dreg:$0x0];
	s2 =	stileid.u32  }
0x48: {  	s1 =	rddreg [dreg:$0x1];
	p0 =	sne.s32 s2, $0x0  }
0x49: {  	s3 =	rddreg [dreg:$0x2];
	[bflag:$0x3] =	sbarrier.arrive $0xFFFF;
	s2 =	simm.s32 @!p0 $0x1C02  }
0x4a: {  	[timem:s3], [sflag:s2] =	dma.local @!p0 [hbm:s0], s1  }
0x4b: {  	s0 =	simm.s32 @!p0 $0x2  }
0x4c: {  	_ =	swait.ge @!p0 [sflag:s0], s1  }
0x4d: {  	s1 =	ssub.s32 @!p0 $0x0, s1;
	[sflag:s0] =	ssyncset.done @!p0 $0x0  }
0x4e: {  	[sflag:s0] =	ssyncadd.s32 @!p0 s1  }
0x4f: {  	[bflag:$0x3] =	sbarrier.arrive $0xFFFF  }
0x50: {  	_ =	shalt  }

// kernel: sparse-core-data-format-call.1.cloned.1.call-start
scs
called_computation.1_lowered:
.L_overlay_start_0:
0x0: {  	s2 =	sld [smem:$0x3FD9]  }
0x1: {  	s3 =	sld [smem:$0x3FFE];
	_ =	sdelay $0x1  }
0x2: {  	s1 =	srdreg.scid  }
0x3: {  	s0 =	sand.u32 $0x1, s1  }
0x4: {  	s18 =	sshll.u32 s0, $0xA;
	s2 =	sadd.s32 s3, s2  }
0x5: {  	s2 =	sadd.s32 s2, s18  }
0x6: {  	[smem:$0x3FC5] =	sst s2  }
0x7: {  	_ = 	snop  }
0x8: {  	(tm) =	ssettm $0x1  }
0x9: {  	s19 =	sld [smem:$0x3FFB];
	_ =	sdelay $0x3  }
0xa: {  	_ =	strace s19  }
0xb: {  	s2 =	sld [smem:$0x3FFC];
	_ =	sdelay $0x3  }
0xc: {  	_ =	strace s2  }
0xd: {  	s2 =	sld [smem:$0x3FFD];
	_ =	sdelay $0x3  }
0xe: {  	_ =	strace s2  }
0xf: {  	_ =	strace $0x8FFFFFFF  }
0x10: {  	s20 =	sld [smem:$0x3FDB];
	_ =	sdelay $0x1  }
0x11: {  	s21 =	simm.s32 $_scs_section_size  }
0x12: {  	s4 =	simm.s32 $_size__tile_overlayer_lowered;
	s5 =	simm.s32 $_tile_overlayer_lowered  }
0x13: {  	s6 =	simm.s32 $0x1BFF;
	s22 =	sshll.u32 s5, $0x1;
	s3 =	sadd.s32 s21, s20  }
0x14: {  	s23 =	simm.s32 $0x0;
	s4 =	sshll.u32 s4, $0x1;
	s5 =	sadd.s32 s22, s3  }
0x15: {  	[timem:s23], [sflag:s6] =	dma.local [hbm:s5], s4  }
0x16: {  	_ =	swait.ge [sflag:s6], s4  }
0x17: {  	s4 =	ssub.s32 $0x0, s4;
	[sflag:s6] =	ssyncset.done $0x0  }
0x18: {  	[sflag:s6] =	ssyncadd.s32 s4;
	_ =	sdelay $0x1  }
0x19: {  	s24 =	simm.s32 $0x1B8B  }
0x1a: {  	_ =	swait.ge [sflag:s24], $0x1  }
0x1b: {  	[sflag:s24] =	ssyncset.done $0x0  }
0x1c: {  	[sflag:s24] =	ssyncadd.s32 $0xFFFFFFFF  }
0x1d: {  	s4 =	sld [smem:$0x0]  }
0x1e: {  	s5 =	sand.u32 $0xFFFFFFFE, s1  }
0x1f: {  	p0 =	sne.s32 s1, s5  }
0x20: {  	s5 =	sshll.u32 @p0 s5, $0xE  }
0x21: {  	s5 =	sadd.s32 @p0 $0x11B8D, s5;
	s6 =	sshll.u32 @p0 s4, $0x11  }
0x22: {  	s5 =	sor.u32 @p0 s6, s5  }
0x23: {  	[sflag:s5] =	ssyncadd.remote.s32 @p0 $0x1;
	_ =	sdelay $0x1  }
0x24: {  	s5 =	simm.s32 @p0 $0x1B8D  }
0x25: {  	_ =	swait.eq @p0 [sflag:s5], $0x1  }
0x26: {  	[sflag:s5] =	ssyncadd.s32 @p0 $0xFFFFFFFF  }
0x27: {  	s6 =	sshll.u32 @!p0 s1, $0xE  }
0x28: {  	s6 =	sor.u32 @!p0 $0x4000, s6;
	s5 =	simm.s32 @!p0 $0x1B8D  }
0x29: {  	s4 =	sshll.u32 @!p0 s4, $0x11;
	s6 =	sadd.s32 @!p0 $0x11B8D, s6;
	_ =	swait.eq @!p0 [sflag:s5], $0x1  }
0x2a: {  	s4 =	sor.u32 @!p0 s4, s6;
	[sflag:s5] =	ssyncadd.s32 @!p0 $0xFFFFFFFF  }
0x2b: {  	s26 =	simm.s32 $0x1B8E;
	s25 =	sld [smem:$0x3FFE];
	[sflag:s4] =	ssyncadd.remote.s32 @!p0 $0x1  }
0x2c: {  	s27 =	simm.s32 $execute0_lowered;
	[smem:$0x3FD2] =	sst s26  }
0x2d: {  	s5 =	sshll.u32 s27, $0x1;
	_ =	strace $0x80000052;
	[dreg:$0x1] =	wrdreg $0xFFFFFFFF  }
0x2e: {  	s28 =	simm.s32 $_size_execute0_lowered;
	s3 =	sadd.s32 s3, s5;
	[dreg:$0x0] =	wrdreg $0x0  }
0x2f: {  	s5 =	sshll.u32 s28, $0x1;
	[dreg:$0x2] =	wrdreg s3  }
0x30: {  	[dreg:$0x3] =	wrdreg s5  }
0x31: {  	[dreg:$0x4] =	wrdreg $0xC0  }
0x32: {  	_ =	task [dreg:s23], $0x5FFFF  }
0x33: {  	[dreg:$0x1] =	wrdreg $0xFFFFFFFF  }
0x34: {  	[dreg:$0x0] =	wrdreg $0x60  }
0x35: {  	[dreg:$0x2] =	wrdreg s25  }
0x36: {  	[dreg:$0x3] =	wrdreg $0xA  }
0x37: {  	_ =	task.clear_ibuf [dreg:s23], $0x4FFFF;
	_ =	strace $0x90000052  }
0x38: {  	s29 =	simm.s32 $0xA;
	_ =	strace $0x80000054  }
0x39: {  	_ =	swait.ge [sflag:s29], $0x1  }
0x3a: {  	[sflag:s29] =	ssyncadd.s32 $0xFFFFFFFF  }
0x3b: {  	_ =	strace $0x90000054  }
0x3c: {  	_ =	sfence  }
0x3d: {  	s30 =	sld [smem:$0x0];
	_ =	sdelay $0x2  }
0x3e: {  	s31 =	sshll.u32 s1, $0xD;
	s1 =	sshrl.u32 s1, $0x2  }
0x3f: {  	s4 =	sand.u32 $0x4000, s31;
	s1 =	sadd.s32 s1, s30  }
0x40: {  	s0 =	sor.u32 s4, s0;
	s1 =	sshll.u32 s1, $0x11  }
0x41: {  	s0 =	sor.u32 s1, s0  }
0x42: {  	s0 =	sadd.s32 $0x8F2B, s0  }
0x43: {  	[sflag:s0] =	ssyncadd.remote.s32 $0x1  }
0x44: {  	_ =	sfence.sel $0xFFFF  }
0x45: {  	[dreg:$0x0] =	wrdreg $0xFFFFFFFF;
	(pc) =	sbr.abs _section_cstart, $3  }
0x46: {  	[dreg:$0x1] =	wrdreg $0xFFFFFFFF  }
0x47: {  	_ =	task.clear_ibuf [dreg:s23], $0x2FFFF;
	_ =	strace $0x9FFFFFFF  }
0x48: {  	(tm) =	ssettm $0x7FFFFFFF  }
0x49: {  	_ =	shalt  }
tec
execute0_lowered:
.L_overlay_start_1:
0x0: {  	(tag) =	ssettag $0x1  }
0x1: {  	s0 =	srdreg.scid  }
0x2: {  	s6 =	rddreg [dreg:$0x0];
	s7 =	simm.s32 $0x1;
	s1 =	sshll.u32 s0, $0x4  }
0x3: {  	s8 =	simm.s32 $0x2;
	s0 =	stileid.u32;
	s1 =	sand.u32 $0x10, s1  }
0x4: {  	s13 =	simm.s32 $0x0;
	s12 =	simm.s32 $0x0;
	s1 =	sor.u32 s0, s1  }
0x5: {  	s10 =	simm.s32 $0x0;
	s3 =	sadd.s32 $0x34DC00, s6;
	s2 =	sshll.u32 s1, $0x8  }
0x6: {  	s11 =	simm.s32 $0x0;
	s6 =	sadd.s32 $0x1145200, s6;
	s5 =	ssub.s32 $0xC8000, s2  }
.Ltmp0:
0x7: {  	s1 =	rddreg [dreg:$0x1];
	s4 =	sand.u32 $0x1F00, s5;
	(pc) =	sbr.rel .LBB1_1-.Ltmp0, $4  }
0x8: {  	_ =	strace $0x80000053;
	s9 =	smov.u32 s2;
	p0 =	sne.s32 s4, $0x0  }
0x9: {  	s5 =	sshrl.u32 s5, $0xD;
	s4 =	simm.s32 $0x1;
	s7 =	simm.s32 @!p0 $0x0  }
0xa: {  	[sflag:s4] =	ssyncpa.u1 $0x0;
	p0 =	por $0x0, $0x0;
	s5 =	sadd.s32 s7, s5  }
0xb: {  	[sflag:s8] =	ssyncpa.u1 $0x0;
	s8 =	simm.s32 $0x80;
	s7 =	sadd.s32 $0x1, s5  }
.LBB1_4:
0xc: {  	_ =	sdelay $0x3  }
0xd: {  	s21 =	sor.u32 s24, s23;
	v47 =	vld.idx.msk [tilespmem:v0+s16+$0x470 ss:$0x1], $0xffff  }
0xe: {  	v57 =	vld.idx.msk [tilespmem:v0+s21+$0x410 ss:$0x1], $0xffff  }
0xf: {  	v58 =	vld.idx.msk [tilespmem:v0+s21+$0x420 ss:$0x1], $0xffff  }
0x10: {  	[tilespmem:s18+$0x1860 ss:$0x41] =	vst.msk $0xffff, v8;
	v59 =	vld.idx.msk [tilespmem:v0+s21+$0x430 ss:$0x1], $0xffff  }
0x11: {  	[tilespmem:s18+$0x1C70 ss:$0x41] =	vst.msk $0xffff, v7;
	v60 =	vld.idx.msk [tilespmem:v0+s21+$0x440 ss:$0x1], $0xffff  }
0x12: {  	[tilespmem:s18+$0x2490 ss:$0x41] =	vst.msk $0xffff, v1;
	s22 =	sand.u32 $0x3B00, s21;
	v61 =	vld.idx.msk [tilespmem:v0+s21+$0x450 ss:$0x1], $0xffff  }
0x13: {  	s20 =	sand.u32 $0x80, s20;
	[tilespmem:s18+$0x28A0 ss:$0x41] =	vst.msk $0xffff, v2;
	v62 =	vld.idx.msk [tilespmem:v0+s21+$0x460 ss:$0x1], $0xffff;
	s15 =	sadd.s32 s22, s15  }
0x14: {  	[tilespmem:s18+$0x2CB0 ss:$0x41] =	vst.msk $0xffff, v3;
	v63 =	vld.idx.msk [tilespmem:v0+s21+$0x470 ss:$0x1], $0xffff;
	s15 =	sadd.s32 s20, s15  }
0x15: {  	[tilespmem:s18+$0x30C0 ss:$0x41] =	vst.msk $0xffff, v4;
	v48 =	vld [tilespmem:s15+$0x400]  }
0x16: {  	[tilespmem:s18+$0x34D0 ss:$0x41] =	vst.msk $0xffff, v5;
	v49 =	vld [tilespmem:s15+$0x0]  }
0x17: {  	s25 =	sshra.s32 s19, $0x2;
	[tilespmem:s18+$0x38E0 ss:$0x41] =	vst.msk $0xffff, v6;
	v50 =	vld [tilespmem:s15+$0x10]  }
0x18: {  	s16 =	sadd.s32 s25, s17;
	v51 =	vld [tilespmem:s15+$0x20];
	[tilespmem:s18+$0x3CF0 ss:$0x41] =	vst.msk $0xffff, v47  }
0x19: {  	v52 =	vld [tilespmem:s15+$0x30];
	[tilespmem:s16+$0x2490 ss:$0x41] =	vst.msk $0xffff, v57  }
0x1a: {  	v53 =	vld [tilespmem:s15+$0x40];
	[tilespmem:s16+$0x28A0 ss:$0x41] =	vst.msk $0xffff, v58  }
0x1b: {  	v54 =	vld [tilespmem:s15+$0x50];
	[tilespmem:s16+$0x2CB0 ss:$0x41] =	vst.msk $0xffff, v59  }
0x1c: {  	s13 =	sshll.u32 s13, $0x7;
	s26 =	sshll.u32 s12, $0x3;
	v55 =	vld [tilespmem:s15+$0x60];
	[tilespmem:s16+$0x30C0 ss:$0x41] =	vst.msk $0xffff, v60  }
0x1d: {  	s27 =	sand.u32 $0xFFFFFC00, s13;
	v56 =	vld [tilespmem:s15+$0x70];
	s15 =	sand.u32 $0xFFFFFC00, s26;
	[tilespmem:s16+$0x34D0 ss:$0x41] =	vst.msk $0xffff, v61  }
0x1e: {  	s13 =	sand.u32 $0x380, s13;
	s15 =	sadd.s32 s15, s27;
	[tilespmem:s16+$0x38E0 ss:$0x41] =	vst.msk $0xffff, v62  }
0x1f: {  	s13 =	sor.u32 s13, s15;
	[tilespmem:s16+$0x3CF0 ss:$0x41] =	vst.msk $0xffff, v63  }
0x20: {  	s13 =	sshrl.u32 s13, $0x7;
	[tilespmem:s16+$0x2080 ss:$0x41] =	vst.msk $0xffff, v48  }
0x21: {  	s28 =	smulhi.u32 $0x147AE15, s13;
	[tilespmem:s16+$0x0 ss:$0x41] =	vst.msk $0xffff, v49  }
0x22: {  	[tilespmem:s16+$0x410 ss:$0x41] =	vst.msk $0xffff, v50  }
0x23: {  	[tilespmem:s16+$0x820 ss:$0x41] =	vst.msk $0xffff, v51;
	s15 =	sshrl.u32 s28, $0xC  }
0x24: {  	[tilespmem:s16+$0xC30 ss:$0x41] =	vst.msk $0xffff, v52;
	s15 =	smul.u32 $0xC8000, s15  }
0x25: {  	s29 =	sshrl.u32 s12, $0x3;
	[tilespmem:s16+$0x1040 ss:$0x41] =	vst.msk $0xffff, v53  }
0x26: {  	s31 =	sand.u32 $0x7, s12;
	s30 =	sand.u32 $0xF, s29;
	[tilespmem:s16+$0x1450 ss:$0x41] =	vst.msk $0xffff, v54;
	s13 =	ssub.s32 s13, s15  }
0x27: {  	s12 =	sshll.u32 s31, $0x12;
	[tilespmem:s16+$0x1860 ss:$0x41] =	vst.msk $0xffff, v55;
	s15 =	sadd.s32 s6, s30;
	s13 =	sshll.u32 s13, $0x4  }
0x28: {  	s12 =	sor.u32 $0x40, s12;
	[tilespmem:s16+$0x1C70 ss:$0x41] =	vst.msk $0xffff, v56;
	s13 =	sadd.s32 s13, s15  }
0x29: {  	[hbm4b:s13+s12] =	stream.strided.scatter [tilespmem:s14], [sflag:$0x2], $0x4000, s8, s12, $0x18;
	[tilespmem:$0x10200] =	vst v63  }
.LBB1_5:
0x2a: {  	s14 =	sadd.s32 $0x2000, s9  }
0x2b: {  	s12 =	sadd.s32 $0x40, s10;
	s16 =	smov.u32 s10;
	p2 =	sgt.s32 s14, $0xC7FFF  }
0x2c: {  	s16 =	smov.u32 @p2 s12  }
0x2d: {  	s14 =	smov.u32 @p2 s2;
	p2 =	sgt.s32 s16, $0x3F  }
0x2e: {  	s16 =	simm.s32 @p2 $0x0;
	p2 =	sne.s32 s11, s7  }
.Ltmp1:
0x2f: {  	p1 =	slt.u32 s11, $0x2;
	(pc) =	sbr.rel @!p2 .LBB1_6-.Ltmp1, $4  }
0x30: {  	s15 =	simm.s32 @!p1 $0x2  }
0x31: {  	s13 =	smov.u32 s9;
	p0 =	por !p0, !p0;
	_ =	swait.ge @!p1 [sflag:s15], $0x4000  }
0x32: {  	s12 =	smov.u32 s10;
	[sflag:s15] =	ssyncset.done @!p1 $0x0;
	s9 =	smov.u32 s14  }
0x33: {  	s11 =	sadd.s32 $0x1, s11;
	[sflag:s15] =	ssyncadd.s32 @!p1 $0xFFFFC000;
	s10 =	smov.u32 s16  }
.LBB1_1:
0x34: {  	p1 =	sge.u32 s11, s5  }
0x35: {  	s14 =	sshrl.u32 @!p1 s10, $0x3  }
0x36: {  	s15 =	sshll.u32 @!p1 s9, $0x3;
	s16 =	sshll.u32 @!p1 s10, $0x7;
	s14 =	smul.u32 @!p1 $0x640000, s14  }
0x37: {  	s17 =	sand.u32 @!p1 $0x7F, s9;
	s15 =	sand.u32 @!p1 $0xFFFFFC00, s15;
	s16 =	sand.u32 @!p1 $0x380, s16  }
0x38: {  	s14 =	sadd.s32 @!p1 s14, s15;
	s15 =	sor.u32 @!p1 s17, s16  }
0x39: {  	s15 =	sor.u32 @!p1 s14, s15  }
0x3a: {  	s16 =	smulhi.u32 @!p1 $0x51EB851F, s15;
	_ =	sdelay $0x1  }
0x3b: {  	s14 =	smulhi.u32 @!p1 $0x51EB851F, s14;
	s16 =	sshrl.u32 @!p1 s16, $0x12  }
0x3c: {  	s16 =	smul.u32 @!p1 $0xC8000, s16  }
0x3d: {  	s31 =	sadd.s32 $0xFFFFFFFF, s11;
	s17 =	sxor.u32 @!p1 $0xFFFFFFFF, s11;
	s14 =	sshrl.u32 @!p1 s14, $0x12  }
0x3e: {  	s17 =	sshll.u32 @!p1 s17, $0xE;
	s14 =	sand.u32 @!p1 $0x3F, s14;
	s15 =	ssub.s32 @!p1 s15, s16  }
0x3f: {  	s14 =	smul.u32 @!p1 $0x19000, s14;
	s16 =	sshrl.u32 @!p1 s15, $0x3;
	s15 =	sand.u32 @!p1 $0x7, s15  }
0x40: {  	s17 =	sand.u32 @!p1 $0x4000, s17;
	s16 =	sadd.s32 @!p1 s3, s16;
	s15 =	sshll.u32 @!p1 s15, $0x12  }
0x41: {  	s14 =	sadd.s32 @!p1 s14, s16;
	s15 =	sor.u32 @!p1 $0x800, s15;
	s16 =	simm.s32 @!p1 $0x640000  }
0x42: {  	[tilespmem:s17], [sflag:$0x1] =	stream.strided.gather @!p1 [hbm4b:s14+s15], $0x4000, s16, s15, $0x38;
	[tilespmem:$0x10200] =	vst v63  }
0x43: {  	p1 =	sge.u32 s31, s5  }
.Ltmp2:
0x44: {  	_ = 	snop;
	(pc) =	sbr.rel @p1 .LBB1_5-.Ltmp2, $1  }
0x45: {  	_ =	sdelay $0x3  }
0x46: {  	s17 =	simm.s32 $0x0  }
0x47: {  	s16 =	sand.u32 $0x3800, s17;
	s18 =	sand.u32 $0x380, s17  }
0x48: {  	s14 =	sand.u32 $0x1, s11;
	s16 =	sor.u32 s18, s16  }
0x49: {  	_ =	swait.ge [sflag:s4], $0x4000;
	s15 =	sshll.u32 s14, $0xE;
	s18 =	sand.u32 $0x3B00, s16  }
0x4a: {  	[sflag:s4] =	ssyncset.done $0x0;
	s17 =	sand.u32 $0x80, s17;
	s18 =	sadd.s32 s18, s15  }
0x4b: {  	[sflag:s4] =	ssyncadd.s32 $0xFFFFC000;
	s20 =	sadd.s32 s17, s18  }
0x4c: {  	v4 =	vld [tilespmem:s20+$0x400]  }
0x4d: {  	s19 =	simm.s32 $0x1;
	v5 =	vld [tilespmem:s20+$0x0]  }
0x4e: {  	s19 =	simm.s32 @!p0 $0x0;
	v6 =	vld [tilespmem:s20+$0x10]  }
0x4f: {  	v0 =	vmov s15;
	s31 =	smul.u32 $0x10400, s19;
	v7 =	vld [tilespmem:s20+$0x20]  }
0x50: {  	v9 =	vld [tilespmem:s20+$0x30]  }
0x51: {  	s17 =	sshrl.u32 s31, $0x2;
	v10 =	vld [tilespmem:s20+$0x40]  }
0x52: {  	s17 =	sor.u32 $0x8000, s17;
	v11 =	vld [tilespmem:s20+$0x50]  }
0x53: {  	v8 =	vld [tilespmem:s20+$0x60];
	s18 =	sadd.s32 $0x0, s17  }
0x54: {  	v1 =	vld.idx.msk [tilespmem:v0+s16+$0x410 ss:$0x1], $0xffff;
	[tilespmem:s18+$0x2080 ss:$0x41] =	vst.msk $0xffff, v4  }
0x55: {  	v2 =	vld.idx.msk [tilespmem:v0+s16+$0x420 ss:$0x1], $0xffff;
	[tilespmem:s18+$0x0 ss:$0x41] =	vst.msk $0xffff, v5  }
0x56: {  	v3 =	vld.idx.msk [tilespmem:v0+s16+$0x430 ss:$0x1], $0xffff;
	[tilespmem:s18+$0x410 ss:$0x41] =	vst.msk $0xffff, v6  }
0x57: {  	s14 =	smul.u32 $0x10400, s14;
	[tilespmem:s18+$0x820 ss:$0x41] =	vst.msk $0xffff, v7;
	v7 =	vld [tilespmem:s20+$0x70]  }
0x58: {  	s21 =	simm.s32 $0x100;
	s22 =	simm.s32 $0x8;
	[tilespmem:s18+$0xC30 ss:$0x41] =	vst.msk $0xffff, v9;
	v4 =	vld.idx.msk [tilespmem:v0+s16+$0x440 ss:$0x1], $0xffff  }
0x59: {  	s23 =	sand.u32 $0x3800, s21;
	s14 =	sshrl.u32 s14, $0x2;
	[tilespmem:s18+$0x1040 ss:$0x41] =	vst.msk $0xffff, v10;
	v5 =	vld.idx.msk [tilespmem:v0+s16+$0x450 ss:$0x1], $0xffff;
	s20 =	simm.s32 $0x80  }
0x5a: {  	s19 =	simm.s32 $0x4;
	s14 =	sor.u32 $0x8000, s14;
	[tilespmem:s18+$0x1450 ss:$0x41] =	vst.msk $0xffff, v11;
	v6 =	vld.idx.msk [tilespmem:v0+s16+$0x460 ss:$0x1], $0xffff;
	s24 =	sand.u32 $0x380, s20  }
.LBB1_3:
0x5b: {  	p1 =	sne.s32 s22, $0xFC;
	[tilespmem:s18+$0x1860 ss:$0x41] =	vst.msk $0xffff, v8;
	v8 =	vld.idx.msk [tilespmem:v0+s16+$0x470 ss:$0x1], $0xffff;
	s16 =	sor.u32 s24, s23  }
0x5c: {  	s23 =	sand.u32 $0x3B00, s16;
	v9 =	vld.idx.msk [tilespmem:v0+s16+$0x410 ss:$0x1], $0xffff;
	[tilespmem:s18+$0x1C70 ss:$0x41] =	vst.msk $0xffff, v7  }
0x5d: {  	s24 =	sand.u32 $0x80, s20;
	s23 =	sadd.s32 s23, s15;
	v7 =	vld.idx.msk [tilespmem:v0+s16+$0x420 ss:$0x1], $0xffff;
	[tilespmem:s18+$0x2490 ss:$0x41] =	vst.msk $0xffff, v1  }
0x5e: {  	s23 =	sadd.s32 s24, s23;
	v10 =	vld.idx.msk [tilespmem:v0+s16+$0x430 ss:$0x1], $0xffff;
	[tilespmem:s18+$0x28A0 ss:$0x41] =	vst.msk $0xffff, v2  }
0x5f: {  	v11 =	vld [tilespmem:s23+$0x400];
	[tilespmem:s18+$0x2CB0 ss:$0x41] =	vst.msk $0xffff, v3  }
0x60: {  	v12 =	vld [tilespmem:s23+$0x0];
	[tilespmem:s18+$0x30C0 ss:$0x41] =	vst.msk $0xffff, v4  }
0x61: {  	v4 =	vld [tilespmem:s23+$0x10];
	[tilespmem:s18+$0x34D0 ss:$0x41] =	vst.msk $0xffff, v5  }
0x62: {  	s24 =	sshra.s32 s19, $0x2;
	s19 =	smov.u32 s22;
	v1 =	vmov v9;
	v5 =	vld [tilespmem:s23+$0x20];
	[tilespmem:s18+$0x38E0 ss:$0x41] =	vst.msk $0xffff, v6  }
0x63: {  	v2 =	vmov v7;
	v6 =	vld [tilespmem:s23+$0x30];
	[tilespmem:s18+$0x3CF0 ss:$0x41] =	vst.msk $0xffff, v8;
	s18 =	sadd.s32 s24, s17  }
0x64: {  	v3 =	vmov v10;
	v9 =	vld [tilespmem:s23+$0x40];
	[tilespmem:s18+$0x2080 ss:$0x41] =	vst.msk $0xffff, v11  }
0x65: {  	[tilespmem:s18+$0x0 ss:$0x41] =	vst.msk $0xffff, v12;
	v10 =	vld [tilespmem:s23+$0x50]  }
.Ltmp3:
0x66: {  	[tilespmem:s18+$0x410 ss:$0x41] =	vst.msk $0xffff, v4;
	v8 =	vld [tilespmem:s23+$0x60];
	(pc) =	sbr.rel @p1 .LBB1_3-.Ltmp3, $4  }
0x67: {  	[tilespmem:s18+$0x820 ss:$0x41] =	vst.msk $0xffff, v5;
	v7 =	vld [tilespmem:s23+$0x70]  }
0x68: {  	[tilespmem:s18+$0xC30 ss:$0x41] =	vst.msk $0xffff, v6;
	v4 =	vld.idx.msk [tilespmem:v0+s16+$0x440 ss:$0x1], $0xffff  }
0x69: {  	s20 =	sadd.s32 $0x80, s20;
	s21 =	sadd.s32 $0x100, s21;
	[tilespmem:s18+$0x1040 ss:$0x41] =	vst.msk $0xffff, v9;
	v5 =	vld.idx.msk [tilespmem:v0+s16+$0x450 ss:$0x1], $0xffff  }
0x6a: {  	s22 =	sadd.s32 $0x4, s22;
	s24 =	sand.u32 $0x380, s20;
	s23 =	sand.u32 $0x3800, s21;
	[tilespmem:s18+$0x1450 ss:$0x41] =	vst.msk $0xffff, v10;
	v6 =	vld.idx.msk [tilespmem:v0+s16+$0x460 ss:$0x1], $0xffff  }
.Ltmp4:
0x6b: {  	_ = 	snop;
	(pc) =	sbr.rel .LBB1_4-.Ltmp4, $1  }
0x6c: {  	_ =	sdelay $0x3  }
.LBB1_6:
0x6d: {  	_ =	sfence.sel $0x180000  }
0x6e: {  	s2 =	simm.s32 $0x1;
	[bflag:$0x0] =	sbarrier.arrive $0xFFFF  }
0x6f: {  	s31 =	simm.s32 $0x2;
	[sflag:s2] =	ssyncpa.u1 $0x1  }
0x70: {  	[sflag:s31] =	ssyncpa.u1 $0x1  }
0x71: {  	p0 =	sne.s32 s0, $0x0;
	_ =	strace $0x90000053  }
0x72: {  	s0 =	sadd.s32 @!p0 $0x100000, s1;
	[bflag:$0x2] =	sbarrier.arrive $0xFFFF  }
0x73: {  	[sflag:s0] =	ssyncadd.tile.s32 @!p0 $0x1;
	_ =	shalt  }
.Lfunc_end1:
_tile_overlayer_lowered:
.L_overlay_start_2:
0x74: {  	(tag) =	ssettag $0x2  }
0x75: {  	s0 =	rddreg [dreg:$0x0];
	s2 =	stileid.u32  }
0x76: {  	s1 =	rddreg [dreg:$0x1];
	p0 =	sne.s32 s2, $0x0  }
0x77: {  	s3 =	rddreg [dreg:$0x2];
	[bflag:$0x3] =	sbarrier.arrive $0xFFFF;
	s2 =	simm.s32 @!p0 $0x1C01  }
0x78: {  	[timem:s3], [sflag:s2] =	dma.local @!p0 [hbm:s0], s1  }
0x79: {  	s0 =	simm.s32 @!p0 $0x1  }
0x7a: {  	_ =	swait.ge @!p0 [sflag:s0], s1  }
0x7b: {  	s1 =	ssub.s32 @!p0 $0x0, s1;
	[sflag:s0] =	ssyncset.done @!p0 $0x0  }
0x7c: {  	[sflag:s0] =	ssyncadd.s32 @!p0 s1  }
0x7d: {  	[bflag:$0x3] =	sbarrier.arrive $0xFFFF  }
0x7e: {  	_ =	shalt  }

// kernel: sparse-core-data-format-call.2.cloned.1.call-start
scs
called_computation.2_lowered:
.L_overlay_start_0:
0x0: {  	s1 =	sld [smem:$0x3FD9]  }
0x1: {  	s2 =	sld [smem:$0x3FFE];
	_ =	sdelay $0x1  }
0x2: {  	s3 =	srdreg.scid  }
0x3: {  	s0 =	sand.u32 $0x1, s3  }
0x4: {  	s17 =	sshll.u32 s0, $0xA;
	s1 =	sadd.s32 s2, s1  }
0x5: {  	s1 =	sadd.s32 s1, s17  }
0x6: {  	[smem:$0x3FC5] =	sst s1  }
0x7: {  	_ = 	snop  }
0x8: {  	(tm) =	ssettm $0x1  }
0x9: {  	s18 =	sld [smem:$0x3FFB];
	_ =	sdelay $0x3  }
0xa: {  	_ =	strace s18  }
0xb: {  	s1 =	sld [smem:$0x3FFC];
	_ =	sdelay $0x3  }
0xc: {  	_ =	strace s1  }
0xd: {  	s1 =	sld [smem:$0x3FFD];
	_ =	sdelay $0x3  }
0xe: {  	_ =	strace s1  }
0xf: {  	_ =	strace $0x8FFFFFFF  }
0x10: {  	s19 =	sld [smem:$0x3FDB];
	_ =	sdelay $0x1  }
0x11: {  	s20 =	simm.s32 $_scs_section_size  }
0x12: {  	s4 =	simm.s32 $_size__tile_overlayer_lowered;
	s5 =	simm.s32 $_tile_overlayer_lowered  }
0x13: {  	s23 =	simm.s32 $0x1BFF;
	s22 =	sshll.u32 s5, $0x1;
	s1 =	sadd.s32 s20, s19  }
0x14: {  	s6 =	simm.s32 $0x0;
	s21 =	sshll.u32 s4, $0x1;
	s4 =	sadd.s32 s22, s1  }
0x15: {  	[timem:s6], [sflag:s23] =	dma.local [hbm:s4], s21  }
0x16: {  	_ =	swait.ge [sflag:s23], s21  }
0x17: {  	s2 =	ssub.s32 $0x0, s21;
	[sflag:s23] =	ssyncset.done $0x0  }
0x18: {  	[sflag:s23] =	ssyncadd.s32 s2;
	_ =	sdelay $0x1  }
0x19: {  	s24 =	simm.s32 $0x1B8B  }
0x1a: {  	_ =	swait.ge [sflag:s24], $0x1  }
0x1b: {  	[sflag:s24] =	ssyncset.done $0x0  }
0x1c: {  	s26 =	simm.s32 $0x1B8E;
	s25 =	sld [smem:$0x3FFE];
	[sflag:s24] =	ssyncadd.s32 $0xFFFFFFFF  }
0x1d: {  	s27 =	simm.s32 $execute0_lowered;
	[smem:$0x3FD2] =	sst s26  }
0x1e: {  	s4 =	sshll.u32 s27, $0x1;
	_ =	strace $0x8000004C;
	[dreg:$0x1] =	wrdreg $0xFFFFFFFF  }
0x1f: {  	s28 =	simm.s32 $_size_execute0_lowered;
	s1 =	sadd.s32 s1, s4;
	[dreg:$0x0] =	wrdreg $0x0  }
0x20: {  	s4 =	sshll.u32 s28, $0x1;
	[dreg:$0x2] =	wrdreg s1  }
0x21: {  	[dreg:$0x3] =	wrdreg s4  }
0x22: {  	[dreg:$0x4] =	wrdreg $0xC0  }
0x23: {  	_ =	task [dreg:s6], $0x5FFFF  }
0x24: {  	[dreg:$0x1] =	wrdreg $0xFFFFFFFF  }
0x25: {  	[dreg:$0x0] =	wrdreg $0x60  }
0x26: {  	[dreg:$0x2] =	wrdreg s25  }
0x27: {  	[dreg:$0x3] =	wrdreg $0xA  }
0x28: {  	_ =	task.clear_ibuf [dreg:s6], $0x4FFFF;
	_ =	strace $0x9000004C  }
0x29: {  	s29 =	simm.s32 $0xA;
	_ =	strace $0x8000004E  }
0x2a: {  	_ =	swait.ge [sflag:s29], $0x1  }
0x2b: {  	[sflag:s29] =	ssyncadd.s32 $0xFFFFFFFF  }
0x2c: {  	_ =	strace $0x9000004E  }
0x2d: {  	_ =	sfence  }
0x2e: {  	s30 =	sld [smem:$0x0];
	_ =	sdelay $0x2  }
0x2f: {  	s31 =	sshll.u32 s3, $0xD;
	s3 =	sshrl.u32 s3, $0x2  }
0x30: {  	s2 =	sand.u32 $0x4000, s31;
	s1 =	sadd.s32 s3, s30  }
0x31: {  	s0 =	sor.u32 s2, s0;
	s1 =	sshll.u32 s1, $0x11  }
0x32: {  	s0 =	sor.u32 s1, s0  }
0x33: {  	s0 =	sadd.s32 $0x8F2B, s0  }
0x34: {  	[sflag:s0] =	ssyncadd.remote.s32 $0x1  }
0x35: {  	_ =	sfence.sel $0xFFFF  }
0x36: {  	[dreg:$0x0] =	wrdreg $0xFFFFFFFF;
	(pc) =	sbr.abs _section_cstart, $3  }
0x37: {  	[dreg:$0x1] =	wrdreg $0xFFFFFFFF  }
0x38: {  	_ =	task.clear_ibuf [dreg:s6], $0x2FFFF;
	_ =	strace $0x9FFFFFFF  }
0x39: {  	(tm) =	ssettm $0x7FFFFFFF  }
tec
execute0_lowered:
.L_overlay_start_1:
0x0: {  	(tag) =	ssettag $0x1  }
0x1: {  	s0 =	srdreg.scid  }
0x2: {  	s1 =	sshll.u32 s0, $0x4  }
0x3: {  	s4 =	rddreg [dreg:$0x0];
	s0 =	stileid.u32;
	s1 =	sand.u32 $0x10, s1  }
0x4: {  	s7 =	simm.s32 $0x1;
	s8 =	simm.s32 $0x2;
	s2 =	sor.u32 s0, s1  }
0x5: {  	s11 =	simm.s32 $0x0;
	s10 =	simm.s32 $0x0;
	s2 =	sshll.u32 s2, $0x7  }
0x6: {  	s3 =	sadd.s32 $0x1145200, s4;
	s4 =	sadd.s32 $0x1800, s4;
	s6 =	ssub.s32 $0xC8000, s2  }
.Ltmp0:
0x7: {  	s1 =	rddreg [dreg:$0x1];
	s5 =	sand.u32 $0xF80, s6;
	(pc) =	sbr.rel .LBB1_1-.Ltmp0, $4  }
0x8: {  	_ =	strace $0x8000004D;
	s9 =	smov.u32 s2;
	p0 =	sne.s32 s5, $0x0  }
0x9: {  	s6 =	sshrl.u32 s6, $0xC;
	s5 =	simm.s32 $0x1;
	s7 =	simm.s32 @!p0 $0x0  }
0xa: {  	[sflag:s5] =	ssyncpa.u1 $0x0;
	p0 =	por $0x0, $0x0;
	s6 =	sadd.s32 s7, s6  }
0xb: {  	[sflag:s8] =	ssyncpa.u1 $0x0;
	s8 =	simm.s32 $0x640000;
	s7 =	sadd.s32 $0x1, s6  }
.LBB1_4:
0xc: {  	s14 =	sshll.u32 s11, $0x3  }
0xd: {  	s30 =	sand.u32 $0x7F, s11;
	s15 =	sand.u32 $0xFFFFFC00, s14  }
0xe: {  	s11 =	sor.u32 s30, s15  }
0xf: {  	s15 =	smulhi.u32 $0x51EB851F, s11  }
0x10: {  	s14 =	smulhi.u32 $0x51EB851F, s14  }
0x11: {  	s15 =	sshrl.u32 s15, $0x12  }
0x12: {  	s14 =	sshrl.u32 s14, $0x12;
	s15 =	smul.u32 $0xC8000, s15  }
0x13: {  	[tilespmem:s12+$0xFFFFFFFC ss:$0x81] =	vst.msk $0xffff, v1;
	s14 =	sand.u32 $0xF, s14  }
0x14: {  	[tilespmem:s12+$0xFFFFFFFD ss:$0x81] =	vst.msk $0xffff, v2;
	s14 =	smul.u32 $0x19000, s14;
	s11 =	ssub.s32 s11, s15  }
0x15: {  	[tilespmem:s12+$0xFFFFFFFE ss:$0x81] =	vst.msk $0xffff, v0;
	s15 =	sand.u32 $0x7, s11  }
0x16: {  	[tilespmem:s12+$0xFFFFFFFF ss:$0x81] =	vst.msk $0xffff, v4;
	s14 =	sadd.s32 s4, s14;
	s11 =	sshrl.u32 s11, $0x3;
	s15 =	sshll.u32 s15, $0x12  }
0x17: {  	[tilespmem:s12+$0xFFFFFFF9 ss:$0x81] =	vst.msk $0xffff, v3;
	s11 =	sadd.s32 s11, s14;
	s31 =	sor.u32 $0x400, s15  }
0x18: {  	[hbm4b:s11+s31] =	stream.strided.scatter [tilespmem:s13], [sflag:$0x2], $0x800, s8, s31, $0x20;
	[tilespmem:$0x2020] =	vst v63  }
.LBB1_5:
0x19: {  	s13 =	sadd.s32 $0x1000, s9  }
0x1a: {  	p2 =	sgt.s32 s13, $0xC7FFF  }
0x1b: {  	s13 =	smov.u32 @p2 s2;
	p2 =	sne.s32 s10, s7  }
.Ltmp1:
0x1c: {  	p1 =	slt.u32 s10, $0x2;
	(pc) =	sbr.rel @!p2 .LBB1_6-.Ltmp1, $4  }
0x1d: {  	s12 =	simm.s32 @!p1 $0x2  }
0x1e: {  	s14 =	sadd.s32 $0x1, s10;
	_ =	swait.ge @!p1 [sflag:s12], $0x800  }
0x1f: {  	s11 =	smov.u32 s9;
	p0 =	por !p0, !p0;
	[sflag:s12] =	ssyncset.done @!p1 $0x0  }
0x20: {  	s10 =	smov.u32 s14;
	s9 =	smov.u32 s13;
	[sflag:s12] =	ssyncadd.s32 @!p1 $0xFFFFF800  }
.LBB1_1:
0x21: {  	p1 =	sge.u32 s10, s6  }
0x22: {  	s12 =	sand.u32 @!p1 $0x1FFFFFF, s9  }
0x23: {  	s13 =	smulhi.u32 @!p1 $0x147AE15, s12;
	_ =	sdelay $0x1  }
0x24: {  	s13 =	sshrl.u32 @!p1 s13, $0xC  }
0x25: {  	s13 =	smul.u32 @!p1 $0xC8000, s13;
	_ =	sdelay $0x1  }
0x26: {  	s31 =	sadd.s32 $0xFFFFFFFF, s10;
	s14 =	sxor.u32 @!p1 $0xFFFFFFFF, s10;
	s12 =	ssub.s32 @!p1 s12, s13  }
0x27: {  	s15 =	simm.s32 @!p1 $0x80;
	s14 =	sshll.u32 @!p1 s14, $0xB;
	s12 =	sshll.u32 @!p1 s12, $0x4  }
0x28: {  	s13 =	sand.u32 @!p1 $0x800, s14;
	s14 =	simm.s32 @!p1 $0x10;
	s12 =	sadd.s32 @!p1 s3, s12  }
0x29: {  	[tilespmem:s13], [sflag:$0x1] =	stream.strided.gather @!p1 [hbm4b:s12+s14], $0x800, s15, s14, $0x38;
	[tilespmem:$0x2020] =	vst v63  }
0x2a: {  	p1 =	sge.u32 s31, s6  }
.Ltmp2:
0x2b: {  	_ = 	snop;
	(pc) =	sbr.rel @p1 .LBB1_5-.Ltmp2, $1  }
0x2c: {  	_ =	sdelay $0x3  }
0x2d: {  	s12 =	simm.s32 $0x1  }
0x2e: {  	_ =	swait.ge [sflag:s5], $0x800;
	s12 =	simm.s32 @!p0 $0x0  }
0x2f: {  	[sflag:s5] =	ssyncset.done $0x0;
	s13 =	sshll.u32 s12, $0xB  }
0x30: {  	[sflag:s5] =	ssyncadd.s32 $0xFFFFF800;
	s15 =	sor.u32 $0x40, s13  }
0x31: {  	v3 =	vld [tilespmem:s15+$0x30]  }
0x32: {  	s12 =	smul.u32 $0x2040, s12;
	v4 =	vld [tilespmem:s15+$0xFFFFFFD0]  }
0x33: {  	v5 =	vld [tilespmem:s15+$0xFFFFFFE0]  }
0x34: {  	s31 =	sand.u32 $0x1, s10;
	s12 =	sshrl.u32 s12, $0x2;
	v1 =	vld [tilespmem:s15+$0xFFFFFFF0]  }
0x35: {  	s13 =	smul.u32 $0x2040, s31;
	v2 =	vld [tilespmem:s15+$0x0];
	s12 =	sor.u32 $0x1007, s12  }
0x36: {  	v0 =	vld [tilespmem:s15+$0x10];
	[tilespmem:s12+$0x0 ss:$0x81] =	vst.msk $0xffff, v3  }
0x37: {  	s13 =	sshrl.u32 s13, $0x2;
	[tilespmem:s12+$0xFFFFFFFA ss:$0x81] =	vst.msk $0xffff, v4;
	v4 =	vld [tilespmem:s15+$0x20]  }
0x38: {  	s14 =	simm.s32 $0x0;
	s13 =	sor.u32 $0x1000, s13;
	v3 =	vld [tilespmem:s15+$0xFFFFFFC0];
	[tilespmem:s12+$0xFFFFFFFB ss:$0x81] =	vst.msk $0xffff, v5;
	s15 =	sadd.s32 $0x80, s15  }
.LBB1_3:
0x39: {  	v5 =	vld [tilespmem:s15+$0x30];
	s14 =	sadd.s32 $0x8, s14;
	[tilespmem:s12+$0xFFFFFFFC ss:$0x81] =	vst.msk $0xffff, v1  }
0x3a: {  	v6 =	vld [tilespmem:s15+$0xFFFFFFD0];
	p1 =	slt.u32 s14, $0x78;
	[tilespmem:s12+$0xFFFFFFFD ss:$0x81] =	vst.msk $0xffff, v2  }
0x3b: {  	v7 =	vld [tilespmem:s15+$0xFFFFFFE0];
	[tilespmem:s12+$0xFFFFFFFE ss:$0x81] =	vst.msk $0xffff, v0  }
.Ltmp3:
0x3c: {  	v1 =	vld [tilespmem:s15+$0xFFFFFFF0];
	[tilespmem:s12+$0xFFFFFFFF ss:$0x81] =	vst.msk $0xffff, v4;
	(pc) =	sbr.rel @p1 .LBB1_3-.Ltmp3, $4  }
0x3d: {  	v2 =	vld [tilespmem:s15+$0x0];
	[tilespmem:s12+$0xFFFFFFF9 ss:$0x81] =	vst.msk $0xffff, v3;
	s12 =	sadd.s32 $0x8, s12  }
0x3e: {  	v0 =	vld [tilespmem:s15+$0x10];
	[tilespmem:s12+$0x0 ss:$0x81] =	vst.msk $0xffff, v5  }
0x3f: {  	[tilespmem:s12+$0xFFFFFFFA ss:$0x81] =	vst.msk $0xffff, v6;
	v4 =	vld [tilespmem:s15+$0x20]  }
0x40: {  	v3 =	vld [tilespmem:s15+$0xFFFFFFC0];
	[tilespmem:s12+$0xFFFFFFFB ss:$0x81] =	vst.msk $0xffff, v7;
	s15 =	sadd.s32 $0x80, s15  }
.Ltmp4:
0x41: {  	_ = 	snop;
	(pc) =	sbr.rel .LBB1_4-.Ltmp4, $1  }
0x42: {  	_ =	sdelay $0x3  }
.LBB1_6:
0x43: {  	_ =	sfence.sel $0x180000  }
0x44: {  	s2 =	simm.s32 $0x1;
	[bflag:$0x0] =	sbarrier.arrive $0xFFFF  }
0x45: {  	s31 =	simm.s32 $0x2;
	[sflag:s2] =	ssyncpa.u1 $0x1  }
0x46: {  	[sflag:s31] =	ssyncpa.u1 $0x1  }
0x47: {  	p0 =	sne.s32 s0, $0x0;
	_ =	strace $0x9000004D  }
0x48: {  	s0 =	sadd.s32 @!p0 $0x100000, s1;
	[bflag:$0x2] =	sbarrier.arrive $0xFFFF  }
0x49: {  	[sflag:s0] =	ssyncadd.tile.s32 @!p0 $0x1;
	_ =	shalt  }
.Lfunc_end1:
_tile_overlayer_lowered:
.L_overlay_start_2:
0x4a: {  	(tag) =	ssettag $0x2  }
0x4b: {  	s0 =	rddreg [dreg:$0x0];
	s2 =	stileid.u32  }
0x4c: {  	s1 =	rddreg [dreg:$0x1];
	p0 =	sne.s32 s2, $0x0  }
0x4d: {  	s3 =	rddreg [dreg:$0x2];
	[bflag:$0x3] =	sbarrier.arrive $0xFFFF;
	s2 =	simm.s32 @!p0 $0x1C01  }
0x4e: {  	[timem:s3], [sflag:s2] =	dma.local @!p0 [hbm:s0], s1  }
0x4f: {  	s0 =	simm.s32 @!p0 $0x1  }
0x50: {  	_ =	swait.ge @!p0 [sflag:s0], s1  }
0x51: {  	s1 =	ssub.s32 @!p0 $0x0, s1;
	[sflag:s0] =	ssyncset.done @!p0 $0x0  }
0x52: {  	[sflag:s0] =	ssyncadd.s32 @!p0 s1  }
0x53: {  	[bflag:$0x3] =	sbarrier.arrive $0xFFFF  }
0x54: {  	_ =	shalt  }

// kernel: sparse-core-data-format-call.3.cloned.1.call-start
scs
called_computation.3_lowered:
.L_overlay_start_0:
0x0: {  	s1 =	sld [smem:$0x3FD9]  }
0x1: {  	s2 =	sld [smem:$0x3FFE];
	_ =	sdelay $0x1  }
0x2: {  	s3 =	srdreg.scid  }
0x3: {  	s0 =	sand.u32 $0x1, s3  }
0x4: {  	s17 =	sshll.u32 s0, $0xA;
	s1 =	sadd.s32 s2, s1  }
0x5: {  	s1 =	sadd.s32 s1, s17  }
0x6: {  	[smem:$0x3FC5] =	sst s1  }
0x7: {  	_ = 	snop  }
0x8: {  	(tm) =	ssettm $0x1  }
0x9: {  	s18 =	sld [smem:$0x3FFB];
	_ =	sdelay $0x3  }
0xa: {  	_ =	strace s18  }
0xb: {  	s1 =	sld [smem:$0x3FFC];
	_ =	sdelay $0x3  }
0xc: {  	_ =	strace s1  }
0xd: {  	s1 =	sld [smem:$0x3FFD];
	_ =	sdelay $0x3  }
0xe: {  	_ =	strace s1  }
0xf: {  	_ =	strace $0x8FFFFFFF  }
0x10: {  	s19 =	sld [smem:$0x3FDB];
	_ =	sdelay $0x1  }
0x11: {  	s20 =	simm.s32 $_scs_section_size  }
0x12: {  	s4 =	simm.s32 $_size__tile_overlayer_lowered;
	s5 =	simm.s32 $_tile_overlayer_lowered  }
0x13: {  	s23 =	simm.s32 $0x1BFF;
	s22 =	sshll.u32 s5, $0x1;
	s1 =	sadd.s32 s20, s19  }
0x14: {  	s6 =	simm.s32 $0x0;
	s21 =	sshll.u32 s4, $0x1;
	s4 =	sadd.s32 s22, s1  }
0x15: {  	[timem:s6], [sflag:s23] =	dma.local [hbm:s4], s21  }
0x16: {  	_ =	swait.ge [sflag:s23], s21  }
0x17: {  	s2 =	ssub.s32 $0x0, s21;
	[sflag:s23] =	ssyncset.done $0x0  }
0x18: {  	[sflag:s23] =	ssyncadd.s32 s2;
	_ =	sdelay $0x1  }
0x19: {  	s24 =	simm.s32 $0x1B8B  }
0x1a: {  	_ =	swait.ge [sflag:s24], $0x1  }
0x1b: {  	[sflag:s24] =	ssyncset.done $0x0  }
0x1c: {  	s26 =	simm.s32 $0x1B8E;
	s25 =	sld [smem:$0x3FFE];
	[sflag:s24] =	ssyncadd.s32 $0xFFFFFFFF  }
0x1d: {  	s27 =	simm.s32 $execute0_lowered;
	[smem:$0x3FD2] =	sst s26  }
0x1e: {  	s4 =	sshll.u32 s27, $0x1;
	_ =	strace $0x80000046;
	[dreg:$0x1] =	wrdreg $0xFFFFFFFF  }
0x1f: {  	s28 =	simm.s32 $_size_execute0_lowered;
	s1 =	sadd.s32 s1, s4;
	[dreg:$0x0] =	wrdreg $0x0  }
0x20: {  	s4 =	sshll.u32 s28, $0x1;
	[dreg:$0x2] =	wrdreg s1  }
0x21: {  	[dreg:$0x3] =	wrdreg s4  }
0x22: {  	[dreg:$0x4] =	wrdreg $0xC0  }
0x23: {  	_ =	task [dreg:s6], $0x5FFFF  }
0x24: {  	[dreg:$0x1] =	wrdreg $0xFFFFFFFF  }
0x25: {  	[dreg:$0x0] =	wrdreg $0x60  }
0x26: {  	[dreg:$0x2] =	wrdreg s25  }
0x27: {  	[dreg:$0x3] =	wrdreg $0x9  }
0x28: {  	_ =	task.clear_ibuf [dreg:s6], $0x4FFFF;
	_ =	strace $0x90000046  }
0x29: {  	s29 =	simm.s32 $0x9;
	_ =	strace $0x80000048  }
0x2a: {  	_ =	swait.ge [sflag:s29], $0x1  }
0x2b: {  	[sflag:s29] =	ssyncadd.s32 $0xFFFFFFFF  }
0x2c: {  	_ =	strace $0x90000048  }
0x2d: {  	_ =	sfence  }
0x2e: {  	s30 =	sld [smem:$0x0];
	_ =	sdelay $0x2  }
0x2f: {  	s31 =	sshll.u32 s3, $0xD;
	s3 =	sshrl.u32 s3, $0x2  }
0x30: {  	s2 =	sand.u32 $0x4000, s31;
	s1 =	sadd.s32 s3, s30  }
0x31: {  	s0 =	sor.u32 s2, s0;
	s1 =	sshll.u32 s1, $0x11  }
0x32: {  	s0 =	sor.u32 s1, s0  }
0x33: {  	s0 =	sadd.s32 $0x8F2B, s0  }
0x34: {  	[sflag:s0] =	ssyncadd.remote.s32 $0x1  }
0x35: {  	_ =	sfence.sel $0xFFFF  }
0x36: {  	[dreg:$0x0] =	wrdreg $0xFFFFFFFF;
	(pc) =	sbr.abs _section_cstart, $3  }
0x37: {  	[dreg:$0x1] =	wrdreg $0xFFFFFFFF  }
0x38: {  	_ =	task.clear_ibuf [dreg:s6], $0x2FFFF;
	_ =	strace $0x9FFFFFFF  }
0x39: {  	(tm) =	ssettm $0x7FFFFFFF  }
tec
execute0_lowered:
.L_overlay_start_1:
0x0: {  	(tag) =	ssettag $0x1  }
0x1: {  	s0 =	srdreg.scid  }
0x2: {  	s5 =	rddreg [dreg:$0x0];
	s1 =	stileid.u32;
	s4 =	simm.s32 $0x1  }
0x3: {  	s6 =	simm.s32 $0x2;
	s15 =	simm.s32 $0x0;
	p0 =	por $0x0, $0x0  }
0x4: {  	s8 =	simm.s32 $0x80;
	s14 =	simm.s32 $0x0;
	s2 =	sshll.u32 s0, $0x4  }
0x5: {  	s9 =	simm.s32 $0x0;
	s10 =	simm.s32 $0x0;
	s2 =	sand.u32 $0x10, s2  }
.Ltmp0:
0x6: {  	s12 =	simm.s32 $0x0;
	s3 =	sor.u32 s1, s2;
	(pc) =	sbr.rel .LBB1_1-.Ltmp0, $4  }
0x7: {  	s0 =	rddreg [dreg:$0x1];
	_ =	strace $0x80000047;
	s3 =	sshll.u32 s3, $0x7  }
0x8: {  	s13 =	simm.s32 $0x0;
	[sflag:s4] =	ssyncpa.u1 $0x0;
	s7 =	ssub.s32 $0xF4200, s3  }
0x9: {  	s2 =	sadd.s32 $0x1800, s5;
	[sflag:s6] =	ssyncpa.u1 $0x0;
	s6 =	sshrl.u32 s7, $0xC  }
0xa: {  	s5 =	sadd.s32 $0x1E9E00, s5;
	s11 =	smov.u32 s3;
	s7 =	sadd.s32 $0x2, s6  }
.LBB1_5:
0xb: {  	p1 =	slt.u32 s13, $0x2  }
0xc: {  	s17 =	smov.u32 s15;
	p2 =	sgt.s32 @!p1 s15, $0xF41C0;
	s16 =	sshra.s32 @!p1 s15, $0x1F  }
0xd: {  	p3 =	sgt.s32 @!p1 s14, $0x70;
	s18 =	sshra.s32 @!p1 s14, $0x1F;
	p2 =	por !p2, p1  }
0xe: {  	s15 =	sand.u32 @!p1 s16, s15;
	p3 =	por !p3, p1;
	s16 =	smov.u32 s14  }
0xf: {  	s14 =	sand.u32 @!p1 s18, s14;
	s17 =	simm.s32 @p2 $0xF41C0;
	s16 =	simm.s32 @p3 $0x70  }
0x10: {  	s15 =	ssub.s32 @!p1 s17, s15;
	s14 =	ssub.s32 @!p1 s16, s14  }
0x11: {  	s18 =	smov.u32 s12;
	s16 =	sadd.s32 @!p1 $0xFFF0BE40, s15;
	s17 =	sadd.s32 @!p1 $0xFFFFFF90, s14  }
0x12: {  	s15 =	ssub.s32 @!p1 $0xF4240, s15;
	p2 =	sgt.s32 @!p1 s16, $0x7F;
	p3 =	sgt.s32 @!p1 s17, $0xF  }
0x13: {  	s14 =	ssub.s32 @!p1 $0x80, s14;
	p2 =	por !p2, p1;
	p3 =	por !p3, p1  }
0x14: {  	s16 =	sadd.s32 $0x1000, s11;
	s15 =	simm.s32 @!p2 $0x0;
	s14 =	simm.s32 @!p3 $0x0  }
0x15: {  	p2 =	sgt.s32 s16, $0xF423F;
	s14 =	smul.u32 @!p1 s14, s15;
	s15 =	sadd.s32 $0x10, s12  }
0x16: {  	s18 =	smov.u32 @p2 s15  }
0x17: {  	s16 =	smov.u32 @p2 s3;
	p2 =	sgt.s32 s18, $0xF  }
0x18: {  	s18 =	simm.s32 @p2 $0x0;
	p2 =	sne.s32 s13, s7  }
.Ltmp1:
0x19: {  	p0 =	por !p0, !p0;
	s17 =	simm.s32 @!p1 $0x2;
	(pc) =	sbr.rel @!p2 .LBB1_6-.Ltmp1, $4  }
0x1a: {  	s15 =	smov.u32 s9;
	s9 =	smov.u32 s11;
	s14 =	sand.u32 @!p1 $0x3FFFFFFF, s14  }
0x1b: {  	s11 =	smov.u32 s16;
	_ =	swait.ge @!p1 [sflag:s17], s14;
	s19 =	ssub.s32 @!p1 $0x0, s14  }
0x1c: {  	s14 =	smov.u32 s10;
	s13 =	sadd.s32 $0x1, s13;
	[sflag:s17] =	ssyncset.done @!p1 $0x0  }
0x1d: {  	s10 =	smov.u32 s12;
	s12 =	smov.u32 s18;
	[sflag:s17] =	ssyncadd.s32 @!p1 s19  }
.LBB1_1:
0x1e: {  	p1 =	sgt.u32 s13, s6  }
0x1f: {  	s16 =	sshrl.u32 @!p1 s12, $0x3  }
0x20: {  	s17 =	sshll.u32 @!p1 s11, $0x3;
	s16 =	smul.u32 @!p1 $0x7A1400, s16  }
0x21: {  	s18 =	sshll.u32 @!p1 s12, $0x7;
	s17 =	sand.u32 @!p1 $0xFFFFFC00, s17  }
0x22: {  	s16 =	sadd.s32 @!p1 s16, s17;
	s17 =	sand.u32 @!p1 $0x380, s18  }
0x23: {  	s18 =	sand.u32 @!p1 $0x7F, s11;
	s16 =	sor.u32 @!p1 s17, s16  }
0x24: {  	s17 =	sor.u32 @!p1 s18, s16  }
0x25: {  	s18 =	smulhi.u32 @!p1 $0x218D6287, s17;
	_ =	sdelay $0x1  }
0x26: {  	s16 =	smulhi.u32 @!p1 $0x218D6287, s16;
	s18 =	sshrl.u32 @!p1 s18, $0x11  }
0x27: {  	s18 =	smul.u32 @!p1 $0xF4280, s18  }
0x28: {  	s19 =	sxor.u32 @!p1 $0xFFFFFFFF, s13;
	s16 =	sshrl.u32 @!p1 s16, $0x11  }
0x29: {  	s19 =	sshll.u32 @!p1 s19, $0xB;
	s16 =	sand.u32 @!p1 $0xF, s16;
	s17 =	ssub.s32 @!p1 s17, s18  }
0x2a: {  	s16 =	smul.u32 @!p1 $0x1E850, s16;
	s18 =	sshrl.u32 @!p1 s17, $0x3;
	s17 =	sand.u32 @!p1 $0x7, s17  }
0x2b: {  	s19 =	sand.u32 @!p1 $0x800, s19;
	s18 =	sadd.s32 @!p1 s2, s18;
	s17 =	sshll.u32 @!p1 s17, $0x12  }
0x2c: {  	s16 =	sadd.s32 @!p1 s16, s18;
	s17 =	sor.u32 @!p1 $0x400, s17;
	s18 =	simm.s32 @!p1 $0x7A1400  }
0x2d: {  	[tilespmem:s19], [sflag:$0x1] =	stream.strided.gather @!p1 [hbm4b:s16+s17], $0x800, s18, s17, $0x38;
	[tilespmem:$0x2100] =	vst v63  }
0x2e: {  	p1 =	seq.s32 s13, $0x0  }
0x2f: {  	p2 =	sge.u32 @!p1 s13, s7  }
0x30: {  	p1 =	por p1, p2  }
.Ltmp2:
0x31: {  	_ = 	snop;
	(pc) =	sbr.rel @p1 .LBB1_5-.Ltmp2, $1  }
0x32: {  	_ =	sdelay $0x3  }
0x33: {  	s16 =	simm.s32 $0x1  }
0x34: {  	_ =	swait.ge [sflag:s4], $0x800;
	s16 =	simm.s32 @!p0 $0x0  }
0x35: {  	[sflag:s4] =	ssyncset.done $0x0;
	s17 =	sshll.u32 s16, $0xB  }
0x36: {  	[sflag:s4] =	ssyncadd.s32 $0xFFFFF800;
	s17 =	sor.u32 $0x40, s17  }
0x37: {  	s16 =	smul.u32 $0x2200, s16;
	v0 =	vld [tilespmem:s17+$0x30]  }
0x38: {  	v1 =	vld [tilespmem:s17+$0xFFFFFFD0]  }
0x39: {  	s16 =	sshrl.u32 s16, $0x2;
	v5 =	vld [tilespmem:s17+$0xFFFFFFE0]  }
0x3a: {  	v6 =	vld [tilespmem:s17+$0xFFFFFFF0];
	s19 =	sor.u32 $0x1000, s16  }
0x3b: {  	s31 =	sand.u32 $0x1, s13;
	v4 =	vld [tilespmem:s17+$0x0];
	s18 =	sadd.s32 $0x0, s19  }
0x3c: {  	v3 =	vld [tilespmem:s17+$0x10];
	s16 =	smul.u32 $0x2200, s31;
	[tilespmem:s18+$0x770 ss:$0x11] =	vst.msk $0xffff, v0  }
0x3d: {  	v2 =	vld [tilespmem:s17+$0x20];
	[tilespmem:s18+$0x110 ss:$0x11] =	vst.msk $0xffff, v1  }
0x3e: {  	s16 =	sshrl.u32 s16, $0x2;
	v1 =	vld [tilespmem:s17+$0xFFFFFFC0];
	[tilespmem:s18+$0x220 ss:$0x11] =	vst.msk $0xffff, v5;
	s17 =	sadd.s32 $0x80, s17  }
0x3f: {  	s20 =	simm.s32 $0x4;
	s21 =	simm.s32 $0x8;
	s16 =	sor.u32 $0x1000, s16;
	[tilespmem:s18+$0x330 ss:$0x11] =	vst.msk $0xffff, v6;
	v0 =	vld [tilespmem:s17+$0x30]  }
.LBB1_3:
0x40: {  	p1 =	sne.s32 s21, $0x3C;
	v5 =	vld [tilespmem:s17+$0xFFFFFFD0];
	[tilespmem:s18+$0x440 ss:$0x11] =	vst.msk $0xffff, v4  }
0x41: {  	v6 =	vld [tilespmem:s17+$0xFFFFFFE0];
	[tilespmem:s18+$0x550 ss:$0x11] =	vst.msk $0xffff, v3  }
0x42: {  	s22 =	sshra.s32 s20, $0x2;
	s20 =	smov.u32 s21;
	v7 =	vld [tilespmem:s17+$0xFFFFFFF0];
	[tilespmem:s18+$0x660 ss:$0x11] =	vst.msk $0xffff, v2  }
.Ltmp3:
0x43: {  	v4 =	vld [tilespmem:s17+$0x0];
	[tilespmem:s18+$0x0 ss:$0x11] =	vst.msk $0xffff, v1;
	s18 =	sadd.s32 s22, s19;
	(pc) =	sbr.rel @p1 .LBB1_3-.Ltmp3, $4  }
0x44: {  	v3 =	vld [tilespmem:s17+$0x10];
	[tilespmem:s18+$0x770 ss:$0x11] =	vst.msk $0xffff, v0  }
0x45: {  	[tilespmem:s18+$0x110 ss:$0x11] =	vst.msk $0xffff, v5;
	v2 =	vld [tilespmem:s17+$0x20]  }
0x46: {  	v1 =	vld [tilespmem:s17+$0xFFFFFFC0];
	[tilespmem:s18+$0x220 ss:$0x11] =	vst.msk $0xffff, v6;
	s17 =	sadd.s32 $0x80, s17  }
0x47: {  	s21 =	sadd.s32 $0x4, s21;
	v0 =	vld [tilespmem:s17+$0x30];
	[tilespmem:s18+$0x330 ss:$0x11] =	vst.msk $0xffff, v7  }
0x48: {  	s21 =	sshll.u32 s9, $0x7;
	s22 =	sshll.u32 s10, $0x3;
	s20 =	sshra.s32 s20, $0x2  }
0x49: {  	p1 =	sgt.s32 s9, $0xF41C0;
	s30 =	sshra.s32 s9, $0x1F;
	s25 =	sshra.s32 s10, $0x1F  }
0x4a: {  	v5 =	vld [tilespmem:s17+$0xFFFFFFD0];
	s28 =	sshrl.u32 s10, $0x3;
	s23 =	sand.u32 $0xFFFFFC00, s21;
	s22 =	sand.u32 $0xFFFFFC00, s22  }
0x4b: {  	[tilespmem:s18+$0x440 ss:$0x11] =	vst.msk $0xffff, v4;
	v58 =	vld [tilespmem:s17+$0xFFFFFFE0];
	s21 =	sand.u32 $0x380, s21;
	s19 =	sadd.s32 s20, s19;
	s22 =	sadd.s32 s22, s23  }
0x4c: {  	v59 =	vld [tilespmem:s17+$0xFFFFFFF0];
	[tilespmem:s18+$0x550 ss:$0x11] =	vst.msk $0xffff, v3;
	s29 =	sor.u32 s21, s22;
	s21 =	smov.u32 s9;
	s22 =	sand.u32 s30, s9  }
0x4d: {  	v60 =	vld [tilespmem:s17+$0x0];
	[tilespmem:s18+$0x660 ss:$0x11] =	vst.msk $0xffff, v2;
	s30 =	sand.u32 $0x7, s10;
	s20 =	sshrl.u32 s29, $0x7;
	s21 =	simm.s32 @!p1 $0xF41C0  }
0x4e: {  	v61 =	vld [tilespmem:s17+$0x10];
	[tilespmem:s18+$0x0 ss:$0x11] =	vst.msk $0xffff, v1;
	p1 =	sgt.s32 s10, $0x70;
	s24 =	ssub.s32 s21, s22;
	s21 =	smov.u32 s10  }
0x4f: {  	v62 =	vld [tilespmem:s17+$0x20];
	[tilespmem:s19+$0x770 ss:$0x11] =	vst.msk $0xffff, v0;
	s31 =	smulhi.u32 $0x218DEF5, s20;
	s22 =	sand.u32 s25, s10;
	s21 =	simm.s32 @!p1 $0x70  }
0x50: {  	v63 =	vld [tilespmem:s17+$0xFFFFFFC0];
	[tilespmem:s19+$0x110 ss:$0x11] =	vst.msk $0xffff, v5;
	s26 =	sadd.s32 $0xFFF0BE40, s24;
	s17 =	ssub.s32 $0xF4240, s24;
	s21 =	ssub.s32 s21, s22  }
0x51: {  	[tilespmem:s19+$0x220 ss:$0x11] =	vst.msk $0xffff, v58;
	s23 =	sshrl.u32 s31, $0xD;
	p1 =	sgt.s32 s26, $0x7F;
	s27 =	sadd.s32 $0xFFFFFF90, s21  }
0x52: {  	[tilespmem:s19+$0x330 ss:$0x11] =	vst.msk $0xffff, v59;
	s23 =	smul.u32 $0xF4240, s23;
	s18 =	ssub.s32 $0x80, s21;
	p2 =	sgt.s32 s27, $0xF  }
.Ltmp4:
0x53: {  	[tilespmem:s19+$0x440 ss:$0x11] =	vst.msk $0xffff, v60;
	s17 =	simm.s32 @p1 $0x0;
	s18 =	simm.s32 @p2 $0x0;
	(pc) =	sbr.rel .LBB1_5-.Ltmp4, $4  }
0x54: {  	s29 =	sand.u32 $0xF, s28;
	[tilespmem:s19+$0x550 ss:$0x11] =	vst.msk $0xffff, v61;
	s20 =	ssub.s32 s20, s23;
	s17 =	smul.u32 s18, s17  }
0x55: {  	[tilespmem:s19+$0x660 ss:$0x11] =	vst.msk $0xffff, v62;
	s21 =	sshll.u32 s30, $0x12;
	s20 =	sshll.u32 s20, $0x4;
	s18 =	sadd.s32 s5, s29  }
0x56: {  	[tilespmem:s19+$0x0 ss:$0x11] =	vst.msk $0xffff, v63;
	s31 =	sor.u32 $0x10, s21;
	s18 =	sadd.s32 s20, s18;
	s17 =	sand.u32 $0x3FFFFFFF, s17  }
0x57: {  	[hbm4b:s18+s31] =	stream.strided.scatter [tilespmem:s16], [sflag:$0x2], s17, s8, s31, $0x8;
	[tilespmem:$0x2100] =	vst v63  }
.LBB1_6:
0x58: {  	_ =	sfence.sel $0x180000  }
0x59: {  	s2 =	simm.s32 $0x1;
	[bflag:$0x0] =	sbarrier.arrive $0xFFFF  }
0x5a: {  	s31 =	simm.s32 $0x2;
	[sflag:s2] =	ssyncpa.u1 $0x1  }
0x5b: {  	[sflag:s31] =	ssyncpa.u1 $0x1  }
0x5c: {  	p0 =	sne.s32 s1, $0x0;
	_ =	strace $0x90000047  }
0x5d: {  	s0 =	sadd.s32 @!p0 $0x100000, s0;
	[bflag:$0x2] =	sbarrier.arrive $0xFFFF  }
0x5e: {  	[sflag:s0] =	ssyncadd.tile.s32 @!p0 $0x1;
	_ =	shalt  }
.Lfunc_end1:
_tile_overlayer_lowered:
.L_overlay_start_2:
0x5f: {  	(tag) =	ssettag $0x2  }
0x60: {  	s0 =	rddreg [dreg:$0x0];
	s2 =	stileid.u32  }
0x61: {  	s1 =	rddreg [dreg:$0x1];
	p0 =	sne.s32 s2, $0x0  }
0x62: {  	s3 =	rddreg [dreg:$0x2];
	[bflag:$0x3] =	sbarrier.arrive $0xFFFF;
	s2 =	simm.s32 @!p0 $0x1C01  }
0x63: {  	[timem:s3], [sflag:s2] =	dma.local @!p0 [hbm:s0], s1  }
0x64: {  	s0 =	simm.s32 @!p0 $0x1  }
0x65: {  	_ =	swait.ge @!p0 [sflag:s0], s1  }
0x66: {  	s1 =	ssub.s32 @!p0 $0x0, s1;
	[sflag:s0] =	ssyncset.done @!p0 $0x0  }
0x67: {  	[sflag:s0] =	ssyncadd.s32 @!p0 s1  }
0x68: {  	[bflag:$0x3] =	sbarrier.arrive $0xFFFF  }
0x69: {  	_ =	shalt  }

// kernel: sparse-core-data-format-call.cloned.1.call-start
scs
called_computation_lowered:
.L_overlay_start_0:
0x0: {  	s2 =	sld [smem:$0x3FD9]  }
0x1: {  	s3 =	sld [smem:$0x3FFE];
	_ =	sdelay $0x1  }
0x2: {  	s1 =	srdreg.scid  }
0x3: {  	s0 =	sand.u32 $0x1, s1  }
0x4: {  	s18 =	sshll.u32 s0, $0xA;
	s2 =	sadd.s32 s3, s2  }
0x5: {  	s2 =	sadd.s32 s2, s18  }
0x6: {  	[smem:$0x3FC5] =	sst s2  }
0x7: {  	_ = 	snop  }
0x8: {  	s2 =	sld [smem:$0x3FD0];
	(tm) =	ssettm $0x1  }
0x9: {  	s19 =	sld [smem:$0x3FFB];
	_ =	sdelay $0x3  }
0xa: {  	_ =	strace s19  }
0xb: {  	s3 =	sld [smem:$0x3FFC];
	_ =	sdelay $0x3  }
0xc: {  	_ =	strace s3  }
0xd: {  	s3 =	sld [smem:$0x3FFD];
	_ =	sdelay $0x3  }
0xe: {  	_ =	strace s3  }
0xf: {  	_ =	strace $0x8FFFFFFF  }
0x10: {  	s20 =	sld [smem:$0x3FDB];
	_ =	sdelay $0x1  }
0x11: {  	s4 =	simm.s32 $_scs_section_size  }
0x12: {  	s5 =	simm.s32 $_size__tile_overlayer_lowered;
	s6 =	simm.s32 $_tile_overlayer_lowered  }
0x13: {  	s23 =	simm.s32 $0x1BFF;
	s22 =	sshll.u32 s6, $0x1;
	s3 =	sadd.s32 s4, s20  }
0x14: {  	s7 =	simm.s32 $0x0;
	s21 =	sshll.u32 s5, $0x1;
	s5 =	sadd.s32 s22, s3  }
0x15: {  	[timem:s7], [sflag:s23] =	dma.local [hbm:s5], s21  }
0x16: {  	_ =	swait.ge [sflag:s23], s21  }
0x17: {  	s4 =	ssub.s32 $0x0, s21;
	[sflag:s23] =	ssyncset.done $0x0  }
0x18: {  	[sflag:s23] =	ssyncadd.s32 s4;
	_ =	sdelay $0x1  }
0x19: {  	s24 =	simm.s32 $0x1B8B  }
0x1a: {  	_ =	swait.ge [sflag:s24], $0x1  }
0x1b: {  	[sflag:s24] =	ssyncset.done $0x0  }
0x1c: {  	s26 =	simm.s32 $0x1B8E;
	s25 =	sld [smem:$0x3FFE];
	[sflag:s24] =	ssyncadd.s32 $0xFFFFFFFF  }
0x1d: {  	s27 =	simm.s32 $execute0_lowered;
	[smem:$0x3FD2] =	sst s26  }
0x1e: {  	s5 =	sshll.u32 s27, $0x1;
	_ =	strace $0x80000055;
	[dreg:$0x1] =	wrdreg $0xFFFFFFFF  }
0x1f: {  	s28 =	simm.s32 $_size_execute0_lowered;
	s3 =	sadd.s32 s3, s5;
	[dreg:$0x0] =	wrdreg $0x0  }
0x20: {  	s5 =	sshll.u32 s28, $0x1;
	[dreg:$0x2] =	wrdreg s3  }
0x21: {  	[dreg:$0x3] =	wrdreg s5  }
0x22: {  	[dreg:$0x4] =	wrdreg $0xC0  }
0x23: {  	_ =	task [dreg:s7], $0x5FFFF  }
0x24: {  	[dreg:$0x1] =	wrdreg $0xFFFFFFFF  }
0x25: {  	[dreg:$0x0] =	wrdreg $0x60  }
0x26: {  	[dreg:$0x2] =	wrdreg s25  }
0x27: {  	[dreg:$0x3] =	wrdreg s2  }
0x28: {  	[dreg:$0x4] =	wrdreg $0x9  }
0x29: {  	_ =	task.clear_ibuf [dreg:s7], $0x5FFFF;
	_ =	strace $0x90000055  }
0x2a: {  	s29 =	simm.s32 $0x9;
	_ =	strace $0x80000057  }
0x2b: {  	_ =	swait.ge [sflag:s29], $0x1  }
0x2c: {  	[sflag:s29] =	ssyncadd.s32 $0xFFFFFFFF  }
0x2d: {  	_ =	strace $0x90000057  }
0x2e: {  	_ =	sfence  }
0x2f: {  	s30 =	sld [smem:$0x0];
	_ =	sdelay $0x2  }
0x30: {  	s31 =	sshll.u32 s1, $0xD;
	s1 =	sshrl.u32 s1, $0x2  }
0x31: {  	s3 =	sand.u32 $0x4000, s31;
	s1 =	sadd.s32 s1, s30  }
0x32: {  	s0 =	sor.u32 s3, s0;
	s1 =	sshll.u32 s1, $0x11  }
0x33: {  	s0 =	sor.u32 s1, s0  }
0x34: {  	s0 =	sadd.s32 $0x8F2B, s0  }
0x35: {  	[sflag:s0] =	ssyncadd.remote.s32 $0x1  }
0x36: {  	_ =	sfence.sel $0xFFFF  }
0x37: {  	[dreg:$0x0] =	wrdreg $0xFFFFFFFF;
	(pc) =	sbr.abs _section_cstart, $3  }
0x38: {  	[dreg:$0x1] =	wrdreg $0xFFFFFFFF  }
0x39: {  	_ =	task.clear_ibuf [dreg:s7], $0x2FFFF;
	_ =	strace $0x9FFFFFFF  }
0x3a: {  	(tm) =	ssettm $0x7FFFFFFF  }
0x3b: {  	_ =	shalt  }
tec
execute0_lowered:
.L_overlay_start_1:
0x0: {  	(tag) =	ssettag $0x1  }
0x1: {  	s0 =	srdreg.scid  }
0x2: {  	s1 =	sshll.u32 s0, $0x4  }
0x3: {  	s0 =	stileid.u32;
	s1 =	sand.u32 $0x10, s1  }
0x4: {  	s1 =	sor.u32 s0, s1  }
0x5: {  	s6 =	rddreg [dreg:$0x0];
	s4 =	simm.s32 $0x1;
	s2 =	sshll.u32 s1, $0x7  }
0x6: {  	s7 =	simm.s32 $0x2;
	s12 =	simm.s32 $0x0;
	s1 =	ssub.s32 $0x4000, s2  }
0x7: {  	s8 =	simm.s32 $0x20000;
	s13 =	simm.s32 $0x0;
	s3 =	sand.u32 $0xF80, s1  }
0x8: {  	s9 =	simm.s32 $0x0;
	s5 =	sshrl.u32 s1, $0xC;
	p0 =	sne.s32 s3, $0x0  }
.Ltmp0:
0x9: {  	s1 =	rddreg [dreg:$0x2];
	s4 =	simm.s32 @!p0 $0x0;
	(pc) =	sbr.rel .LBB1_1-.Ltmp0, $4  }
0xa: {  	s11 =	simm.s32 $0x0;
	s3 =	rddreg [dreg:$0x1];
	s5 =	sadd.s32 s4, s5  }
0xb: {  	_ =	strace $0x80000056;
	s4 =	simm.s32 $0x1;
	s5 =	smul.u32 $0x32, s5  }
0xc: {  	s6 =	sadd.s32 $0xC81800, s6;
	s10 =	smov.u32 s2;
	[sflag:s4] =	ssyncpa.u1 $0x0  }
0xd: {  	p0 =	por $0x0, $0x0;
	[sflag:s7] =	ssyncpa.u1 $0x0;
	s7 =	sor.u32 $0x1, s5  }
.LBB1_4:
0xe: {  	s16 =	sshll.u32 s13, $0x3;
	s17 =	sand.u32 $0x78, s13  }
0xf: {  	s30 =	sand.u32 $0x1F800, s13;
	s12 =	sshll.u32 s12, $0x11;
	s16 =	sand.u32 $0x3C00, s16  }
0x10: {  	[tilespmem:s15+$0x810 ss:$0x81] =	vst.msk $0xffff, v2;
	s31 =	sand.u32 $0x7, s13;
	s16 =	sor.u32 s17, s16;
	s17 =	sadd.s32 s3, s30  }
0x11: {  	[tilespmem:s15+$0x1020 ss:$0x81] =	vst.msk $0xffff, v0;
	s13 =	sshll.u32 s31, $0x12;
	s12 =	sadd.s32 s12, s17;
	s16 =	sshrl.u32 s16, $0x3  }
0x12: {  	[tilespmem:s15+$0x0 ss:$0x81] =	vst.msk $0xffff, v1;
	s13 =	sor.u32 $0x400, s13;
	s12 =	sadd.s32 s16, s12  }
0x13: {  	[hbm4b:s12+s13] =	stream.strided.scatter [tilespmem:s14], [sflag:$0x2], $0x2000, s8, s13, $0x20;
	[tilespmem:$0x8080] =	vst v63  }
.LBB1_5:
0x14: {  	s14 =	sadd.s32 $0x1, s9  }
0x15: {  	s12 =	sadd.s32 $0x1000, s10;
	s16 =	smov.u32 s10;
	p2 =	sgt.s32 s14, $0x31  }
0x16: {  	s16 =	smov.u32 @p2 s12  }
0x17: {  	s14 =	simm.s32 @p2 $0x0;
	p2 =	sgt.s32 s16, $0x3FFF  }
0x18: {  	s16 =	smov.u32 @p2 s2;
	p2 =	sne.s32 s11, s7  }
.Ltmp1:
0x19: {  	p1 =	slt.u32 s11, $0x2;
	(pc) =	sbr.rel @!p2 .LBB1_6-.Ltmp1, $4  }
0x1a: {  	s15 =	simm.s32 @!p1 $0x2  }
0x1b: {  	s13 =	smov.u32 s10;
	p0 =	por !p0, !p0;
	_ =	swait.ge @!p1 [sflag:s15], $0x2000  }
0x1c: {  	s12 =	smov.u32 s9;
	[sflag:s15] =	ssyncset.done @!p1 $0x0;
	s9 =	smov.u32 s14  }
0x1d: {  	s11 =	sadd.s32 $0x1, s11;
	[sflag:s15] =	ssyncadd.s32 @!p1 $0xFFFFE000;
	s10 =	smov.u32 s16  }
.LBB1_1:
0x1e: {  	p1 =	sge.u32 s11, s5  }
0x1f: {  	s14 =	sand.u32 @!p1 $0x1FFFFFF, s9  }
0x20: {  	s15 =	smulhi.u32 @!p1 $0x4924925, s14;
	_ =	sdelay $0x1  }
0x21: {  	s15 =	smul.u32 @!p1 $0x38, s15  }
0x22: {  	s16 =	sxor.u32 @!p1 $0xFFFFFFFF, s11;
	s17 =	smul.u32 @!p1 $0x380, s10  }
0x23: {  	s31 =	sadd.s32 $0xFFFFFFFF, s11;
	s16 =	sshll.u32 @!p1 s16, $0xD;
	s14 =	ssub.s32 @!p1 s14, s15  }
0x24: {  	s15 =	sand.u32 @!p1 $0x2000, s16;
	s16 =	sadd.s32 @!p1 s6, s17;
	s14 =	sshll.u32 @!p1 s14, $0x4  }
0x25: {  	s17 =	simm.s32 @!p1 $0x1C00;
	s14 =	sadd.s32 @!p1 s14, s16;
	s16 =	simm.s32 @!p1 $0x40  }
0x26: {  	[tilespmem:s15], [sflag:$0x1] =	stream.strided.gather @!p1 [hbm4b:s14+s16], $0x2000, s17, s16, $0x38;
	[tilespmem:$0x8080] =	vst v63  }
0x27: {  	p1 =	sge.u32 s31, s5  }
.Ltmp2:
0x28: {  	_ = 	snop;
	(pc) =	sbr.rel @p1 .LBB1_5-.Ltmp2, $1  }
0x29: {  	_ =	sdelay $0x3  }
0x2a: {  	s14 =	simm.s32 $0x1  }
0x2b: {  	_ =	swait.ge [sflag:s4], $0x2000;
	s14 =	simm.s32 @!p0 $0x0  }
0x2c: {  	[sflag:s4] =	ssyncset.done $0x0;
	s15 =	sshll.u32 s14, $0xD  }
0x2d: {  	[sflag:s4] =	ssyncadd.s32 $0xFFFFE000;
	s18 =	sor.u32 $0x20, s15  }
0x2e: {  	s14 =	smul.u32 $0x8100, s14;
	v3 =	vld [tilespmem:s18+$0x10]  }
0x2f: {  	s30 =	sand.u32 $0x1, s11;
	v2 =	vld [tilespmem:s18+$0xFFFFFFF0]  }
0x30: {  	s15 =	smul.u32 $0x8100, s30;
	s14 =	sshrl.u32 s14, $0x2;
	v0 =	vld [tilespmem:s18+$0x0]  }
0x31: {  	v1 =	vld [tilespmem:s18+$0xFFFFFFE0];
	s16 =	sor.u32 $0x4000, s14  }
0x32: {  	s31 =	sshrl.u32 s15, $0x2;
	s15 =	sadd.s32 $0x0, s16  }
0x33: {  	s17 =	simm.s32 $0x4;
	s18 =	sadd.s32 $0x40, s18;
	s14 =	sor.u32 $0x4000, s31;
	[tilespmem:s15+$0x1830 ss:$0x81] =	vst.msk $0xffff, v3  }
.LBB1_3:
0x34: {  	v3 =	vld [tilespmem:s18+$0x10];
	p1 =	sne.s32 s17, $0x1FC;
	[tilespmem:s15+$0x810 ss:$0x81] =	vst.msk $0xffff, v2;
	s19 =	smov.u32 s17;
	s17 =	sadd.s32 $0x4, s17  }
.Ltmp3:
0x35: {  	v2 =	vld [tilespmem:s18+$0xFFFFFFF0];
	[tilespmem:s15+$0x1020 ss:$0x81] =	vst.msk $0xffff, v0;
	(pc) =	sbr.rel @p1 .LBB1_3-.Ltmp3, $4  }
0x36: {  	v0 =	vld [tilespmem:s18+$0x0];
	[tilespmem:s15+$0x0 ss:$0x81] =	vst.msk $0xffff, v1  }
0x37: {  	s15 =	sshra.s32 s19, $0x2;
	v1 =	vld [tilespmem:s18+$0xFFFFFFE0]  }
0x38: {  	s15 =	sadd.s32 s15, s16  }
0x39: {  	s18 =	sadd.s32 $0x40, s18;
	[tilespmem:s15+$0x1830 ss:$0x81] =	vst.msk $0xffff, v3  }
.Ltmp4:
0x3a: {  	_ = 	snop;
	(pc) =	sbr.rel .LBB1_4-.Ltmp4, $1  }
0x3b: {  	_ =	sdelay $0x3  }
.LBB1_6:
0x3c: {  	_ =	sfence.sel $0x180000  }
0x3d: {  	s2 =	simm.s32 $0x1;
	[bflag:$0x0] =	sbarrier.arrive $0xFFFF  }
0x3e: {  	s31 =	simm.s32 $0x2;
	[sflag:s2] =	ssyncpa.u1 $0x1  }
0x3f: {  	[sflag:s31] =	ssyncpa.u1 $0x1  }
0x40: {  	p0 =	sne.s32 s0, $0x0;
	_ =	strace $0x90000056  }
0x41: {  	s0 =	sadd.s32 @!p0 $0x100000, s1;
	[bflag:$0x2] =	sbarrier.arrive $0xFFFF  }
0x42: {  	[sflag:s0] =	ssyncadd.tile.s32 @!p0 $0x1;
	_ =	shalt  }
.Lfunc_end1:
_tile_overlayer_lowered:
.L_overlay_start_2:
0x43: {  	(tag) =	ssettag $0x2  }
0x44: {  	s0 =	rddreg [dreg:$0x0];
	s2 =	stileid.u32  }
0x45: {  	s1 =	rddreg [dreg:$0x1];
	p0 =	sne.s32 s2, $0x0  }
0x46: {  	s3 =	rddreg [dreg:$0x2];
	[bflag:$0x3] =	sbarrier.arrive $0xFFFF;
	s2 =	simm.s32 @!p0 $0x1C01  }
0x47: {  	[timem:s3], [sflag:s2] =	dma.local @!p0 [hbm:s0], s1  }
0x48: {  	s0 =	simm.s32 @!p0 $0x1  }
0x49: {  	_ =	swait.ge @!p0 [sflag:s0], s1  }
0x4a: {  	s1 =	ssub.s32 @!p0 $0x0, s1;
	[sflag:s0] =	ssyncset.done @!p0 $0x0  }
0x4b: {  	[sflag:s0] =	ssyncadd.s32 @!p0 s1  }
0x4c: {  	[bflag:$0x3] =	sbarrier.arrive $0xFFFF  }
0x4d: {  	_ =	shalt  }

</sc_bundles>
